<compile_context>
chip_gen: v7x
topology: tpu7x:2x2x1
jax: 0.10.2.dev20260603
libtpu: 0.0.44.dev20260713+nightly
codegen_flags: <defaults>
</compile_context>

<pallas_src>
import functools

import jax
import jax.numpy as jnp
from jax import lax
from jax.experimental import pallas as pl
from jax.experimental.pallas import tpu as pltpu
from jax.experimental.pallas import tpu_sc as plsc

N = 10000
NP = 10240
E = 320000
EP = 323584
CH = 158
CHD = 79
TRASH = 10200
D_IN = 128
HID = 128
EMB = 256
NG = 16
NF = 4
B = 256
R = 512
NR = NP // R

_MESH = dict(core_axis_name="c", subcore_axis_name="s")


def _deg_sc(dstdeg):
    @functools.partial(
        pl.kernel,
        out_type=jax.ShapeDtypeStruct((2, NP, 128), jnp.float32),
        mesh=plsc.VectorSubcoreMesh(**_MESH),
        scratch_types=[
            pltpu.VMEM((CHD, 128), jnp.int32),
            pltpu.VMEM((128, 128), jnp.float32),
            pltpu.VMEM_SHARED((NP, 128), jnp.float32),
        ],
    )
    def k(dst_hbm, out_hbm, idx_v, ones_v, acc):
        c = lax.axis_index("c")
        s = lax.axis_index("s")
        rpt = NP // 16
        r0 = s * rpt

        @pl.loop(0, 128)
        def _(i):
            @pl.loop(0, 8)
            def _(q):
                ones_v[i, pl.ds(q * 16, 16)] = jnp.zeros((16,), jnp.float32)

        @pl.loop(0, rpt // 128)
        def _(b):
            pltpu.sync_copy(ones_v, acc.at[pl.ds(r0 + b * 128, 128)])

        @pl.loop(0, 128)
        def _(i):
            @pl.loop(0, 8)
            def _(q):
                ones_v[i, pl.ds(q * 16, 16)] = jnp.ones((16,), jnp.float32)

        pltpu.sync_copy(dst_hbm.at[c].at[s], idx_v)
        plsc.subcore_barrier()

        @pl.loop(0, CHD)
        def _(j):
            pltpu.sync_copy(ones_v, acc.at[idx_v.at[j]], add=True)

        plsc.subcore_barrier()
        pltpu.sync_copy(acc.at[pl.ds(r0, rpt)], out_hbm.at[c].at[pl.ds(r0, rpt)])

    return k(dstdeg)


def _mp1_sc(p, srcg, dstg):
    dh = HID

    @functools.partial(
        pl.kernel,
        out_type=jax.ShapeDtypeStruct((2, NP, dh), jnp.float32),
        mesh=plsc.VectorSubcoreMesh(**_MESH),
        scratch_types=[
            pltpu.VMEM((CHD, 128), jnp.int32),
            pltpu.VMEM((CHD, 128), jnp.int32),
            pltpu.VMEM((128, dh), jnp.float32),
            pltpu.VMEM_SHARED((NP, dh), jnp.float32),
        ],
    )
    def k(p_hbm, src_hbm, dst_hbm, out_hbm, src_v, dst_v, rows, acc):
        c = lax.axis_index("c")
        s = lax.axis_index("s")
        rpt = NP // 16
        r0 = s * rpt

        @pl.loop(0, 128)
        def _(i):
            @pl.loop(0, dh // 16)
            def _(q):
                rows[i, pl.ds(q * 16, 16)] = jnp.zeros((16,), jnp.float32)

        @pl.loop(0, rpt // 128)
        def _(b):
            pltpu.sync_copy(rows, acc.at[pl.ds(r0 + b * 128, 128)])

        pltpu.sync_copy(src_hbm.at[c].at[s], src_v)
        pltpu.sync_copy(dst_hbm.at[c].at[s], dst_v)
        plsc.subcore_barrier()

        @pl.loop(0, CHD)
        def _(j):
            pltpu.sync_copy(p_hbm.at[src_v.at[j]], rows)
            pltpu.sync_copy(rows, acc.at[dst_v.at[j]], add=True)

        plsc.subcore_barrier()
        pltpu.sync_copy(acc.at[pl.ds(r0, rpt)], out_hbm.at[c].at[pl.ds(r0, rpt)])

    return k(p, srcg, dstg)


def _mp2_sc(p0, p1, srcg, dstg, dh):
    @functools.partial(
        pl.kernel,
        out_type=jax.ShapeDtypeStruct((2, NP, dh), jnp.float32),
        mesh=plsc.VectorSubcoreMesh(**_MESH),
        scratch_types=[
            pltpu.VMEM((CHD, 128), jnp.int32),
            pltpu.VMEM((CHD, 128), jnp.int32),
            pltpu.VMEM((128, dh), jnp.float32),
            pltpu.VMEM_SHARED((NP, dh), jnp.float32),
        ],
    )
    def k(p0_hbm, p1_hbm, src_hbm, dst_hbm, out_hbm, src_v, dst_v, rows, acc):
        c = lax.axis_index("c")
        s = lax.axis_index("s")
        rpt = NP // 16
        sl = pl.ds(s * rpt, rpt)

        @pl.loop(0, 128)
        def _(i):
            @pl.loop(0, dh // 16)
            def _(q):
                rows[i, pl.ds(q * 16, 16)] = jnp.zeros((16,), jnp.float32)

        @pl.loop(0, rpt // 128)
        def _(b):
            pltpu.sync_copy(rows, acc.at[pl.ds(s * rpt + b * 128, 128)])

        pltpu.sync_copy(src_hbm.at[s], src_v)
        pltpu.sync_copy(dst_hbm.at[s], dst_v)
        plsc.subcore_barrier()

        @pl.loop(0, CHD)
        def _(j):
            @pl.when(c == 0)
            def _():
                pltpu.sync_copy(p0_hbm.at[src_v.at[j]], rows)

            @pl.when(c != 0)
            def _():
                pltpu.sync_copy(p1_hbm.at[src_v.at[j]], rows)

            pltpu.sync_copy(rows, acc.at[dst_v.at[j]], add=True)

        plsc.subcore_barrier()
        pltpu.sync_copy(acc.at[sl], out_hbm.at[c].at[sl])

    return k(p0, p1, srcg, dstg)


def _a_body(deg_ref, x_ref, w_ref, p_ref, dinv_ref):
    deg = deg_ref[0, :, 0] + deg_ref[1, :, 0] + 1.0
    dinv = lax.rsqrt(jnp.maximum(deg, 1.0))[:, None]
    dinv_ref[...] = dinv
    u = jnp.dot(x_ref[...], w_ref[...], preferred_element_type=jnp.float32)
    p_ref[...] = u * dinv


def _a_tc(degacc, x_pad, W1):
    return pl.pallas_call(
        _a_body,
        grid=(NR,),
        in_specs=[
            pl.BlockSpec((2, R, 128), lambda i: (0, i, 0)),
            pl.BlockSpec((R, D_IN), lambda i: (i, 0)),
            pl.BlockSpec((D_IN, HID), lambda i: (0, 0)),
        ],
        out_specs=[
            pl.BlockSpec((R, HID), lambda i: (i, 0)),
            pl.BlockSpec((R, 1), lambda i: (i, 0)),
        ],
        out_shape=[
            jax.ShapeDtypeStruct((NP, HID), jnp.float32),
            jax.ShapeDtypeStruct((NP, 1), jnp.float32),
        ],
    )(degacc, x_pad, W1)


def _b_body(m_ref, p1_ref, dinv_ref, b1_ref, w2_ref, p2a_ref, p2b_ref):
    dinv = dinv_ref[...]
    h = m_ref[0] + m_ref[1] + p1_ref[...]
    h1 = jnp.maximum(h * dinv + b1_ref[...], 0.0)
    p2 = jnp.dot(h1, w2_ref[...], preferred_element_type=jnp.float32) * dinv
    p2a_ref[...] = p2[:, :EMB // 2]
    p2b_ref[...] = p2[:, EMB // 2:]


def _b_tc(m1, p1, dinv, b1r, W2):
    return pl.pallas_call(
        _b_body,
        grid=(NR,),
        in_specs=[
            pl.BlockSpec((2, R, HID), lambda i: (0, i, 0)),
            pl.BlockSpec((R, HID), lambda i: (i, 0)),
            pl.BlockSpec((R, 1), lambda i: (i, 0)),
            pl.BlockSpec((1, HID), lambda i: (0, 0)),
            pl.BlockSpec((HID, EMB), lambda i: (0, 0)),
        ],
        out_specs=[
            pl.BlockSpec((R, EMB // 2), lambda i: (i, 0)),
            pl.BlockSpec((R, EMB // 2), lambda i: (i, 0)),
        ],
        out_shape=[
            jax.ShapeDtypeStruct((NP, EMB // 2), jnp.float32),
            jax.ShapeDtypeStruct((NP, EMB // 2), jnp.float32),
        ],
    )(m1, p1, dinv, b1r, W2)


def _c_body(mx_ref, my_ref, p2a_ref, p2b_ref, dinv_ref, b2_ref, batch_ref,
            wg_ref, bg_ref, wf_ref, bfam_ref, emb_ref, gl_ref, fl_ref,
            sums, cnts):
    i = pl.program_id(0)

    @pl.when(i == 0)
    def _():
        sums[...] = jnp.zeros_like(sums)
        cnts[...] = jnp.zeros_like(cnts)

    dinv = dinv_ref[...]
    m0 = mx_ref[0] + my_ref[0] + p2a_ref[...]
    m1 = mx_ref[1] + my_ref[1] + p2b_ref[...]
    h2 = jnp.concatenate([m0, m1], axis=1) * dinv + b2_ref[...]
    bb = batch_ref[0]
    gid = lax.broadcasted_iota(jnp.int32, (B, R), 0)
    onehot = (bb == gid).astype(jnp.float32)
    sums[...] += jnp.dot(onehot, h2, preferred_element_type=jnp.float32)
    cnts[...] += jnp.sum(onehot, axis=1, keepdims=True)

    @pl.when(i == pl.num_programs(0) - 1)
    def _():
        emb = sums[...] / jnp.maximum(cnts[...], 1.0)
        emb_ref[...] = emb
        gl_ref[...] = (jnp.dot(emb, wg_ref[...],
                               preferred_element_type=jnp.float32)
                       + bg_ref[...])
        fl_ref[...] = (jnp.dot(emb, wf_ref[...],
                               preferred_element_type=jnp.float32)
                       + bfam_ref[...])


def _c_tc(m2x, m2y, p2a, p2b, dinv, b2r, batch_g, Wg, bgr, famW, fambr):
    return pl.pallas_call(
        _c_body,
        grid=(NR,),
        in_specs=[
            pl.BlockSpec((2, R, EMB // 2), lambda i: (0, i, 0)),
            pl.BlockSpec((2, R, EMB // 2), lambda i: (0, i, 0)),
            pl.BlockSpec((R, EMB // 2), lambda i: (i, 0)),
            pl.BlockSpec((R, EMB // 2), lambda i: (i, 0)),
            pl.BlockSpec((R, 1), lambda i: (i, 0)),
            pl.BlockSpec((1, EMB), lambda i: (0, 0)),
            pl.BlockSpec((1, 1, R), lambda i: (i, 0, 0)),
            pl.BlockSpec((EMB, NG), lambda i: (0, 0)),
            pl.BlockSpec((1, NG), lambda i: (0, 0)),
            pl.BlockSpec((EMB, NG * NF), lambda i: (0, 0)),
            pl.BlockSpec((1, NG * NF), lambda i: (0, 0)),
        ],
        out_specs=[
            pl.BlockSpec((B, EMB), lambda i: (0, 0)),
            pl.BlockSpec((B, NG), lambda i: (0, 0)),
            pl.BlockSpec((B, NG * NF), lambda i: (0, 0)),
        ],
        out_shape=[
            jax.ShapeDtypeStruct((B, EMB), jnp.float32),
            jax.ShapeDtypeStruct((B, NG), jnp.float32),
            jax.ShapeDtypeStruct((B, NG * NF), jnp.float32),
        ],
        scratch_shapes=[
            pltpu.VMEM((B, EMB), jnp.float32),
            pltpu.VMEM((B, 1), jnp.float32),
        ],
    )(m2x, m2y, p2a, p2b, dinv, b2r, batch_g, Wg, bgr, famW, fambr)


def kernel(x, edge_index, batch, W1, b1, W2, b2, Wg, bg, Wf, bf):
    x_pad = jnp.pad(x, ((0, NP - N), (0, 0)))
    src_pad = jnp.pad(edge_index[0].astype(jnp.int32), (0, EP - E))
    trash_dst = N + (jnp.arange(EP - E, dtype=jnp.int32) % (NP - N))
    dst_pad = jnp.concatenate([edge_index[1].astype(jnp.int32), trash_dst])
    srcdeg = src_pad.reshape(2, 16, CHD, 128)
    dstdeg = dst_pad.reshape(2, 16, CHD, 128)
    batch_g = jnp.pad(batch.astype(jnp.int32), (0, NP - N),
                      constant_values=B + 7).reshape(NR, 1, R)
    famW = Wf.transpose(1, 0, 2).reshape(EMB, NG * NF)

    degacc = _deg_sc(dstdeg)
    p1, dinv = _a_tc(degacc, x_pad, W1)
    m1 = _mp1_sc(p1, srcdeg, dstdeg)
    p2a, p2b = _b_tc(m1, p1, dinv, b1.reshape(1, HID), W2)
    m2x = _mp2_sc(p2a, p2b, srcdeg[0], dstdeg[0], EMB // 2)
    m2y = _mp2_sc(p2a, p2b, srcdeg[1], dstdeg[1], EMB // 2)
    emb, gl, flf = _c_tc(m2x, m2y, p2a, p2b, dinv, b2.reshape(1, EMB),
                         batch_g, Wg, bg.reshape(1, NG), famW,
                         bf.reshape(1, NG * NF))
    fl = flf.reshape(B, NG, NF).transpose(1, 0, 2)
    return emb, gl, fl

# --- scband reference (transcript-rebuilt; emitter-appended) ---
"""Pipeline reference for scband-temporal-gnn-1443109011560 (READ-ONLY COPY).

The authoritative reference and input builder live on the scoring server;
editing this copy changes nothing except your own understanding.
"""

import jax, jax.numpy as jnp
import numpy as np

N = 10000
E = 320000
D_IN = 128
HID = 128
EMB = 256
NG = 16
NF_PER = 4  # num_families=64 spread uniformly over 16 groups
B = 256     # number of graphs in the batch


def setup_inputs(seed: int = 0) -> dict:
    key = jax.random.key(seed)
    ks = jax.random.split(key, 12)
    x = jax.random.normal(ks[0], (N, D_IN), dtype=jnp.float32)
    edge_index = jax.random.randint(ks[1], (2, E), 0, N)
    batch = jnp.sort(jax.random.randint(ks[2], (N,), 0, B))
    W1 = jax.random.normal(ks[3], (D_IN, HID), dtype=jnp.float32) * 0.05
    b1 = jnp.zeros((HID,), dtype=jnp.float32)
    W2 = jax.random.normal(ks[4], (HID, EMB), dtype=jnp.float32) * 0.05
    b2 = jnp.zeros((EMB,), dtype=jnp.float32)
    Wg = jax.random.normal(ks[5], (EMB, NG), dtype=jnp.float32) * 0.05
    bg = jnp.zeros((NG,), dtype=jnp.float32)
    Wf = jax.random.normal(ks[6], (NG, EMB, NF_PER), dtype=jnp.float32) * 0.05
    bf = jnp.zeros((NG, NF_PER), dtype=jnp.float32)
    return {"x": x, "edge_index": edge_index, "batch": batch,
            "W1": W1, "b1": b1, "W2": W2, "b2": b2,
            "Wg": Wg, "bg": bg, "Wf": Wf, "bf": bf}


def _gcn_conv(x, edge_index, W, b):
    # GCNConv: add self-loops, symmetric normalization D^-1/2 (A+I) D^-1/2 X W + b
    n = x.shape[0]
    src = edge_index[0]
    dst = edge_index[1]
    loop = jnp.arange(n)
    src = jnp.concatenate([src, loop])
    dst = jnp.concatenate([dst, loop])
    deg = jax.ops.segment_sum(jnp.ones_like(src, dtype=x.dtype), dst, num_segments=n)
    dinv = jax.lax.rsqrt(jnp.maximum(deg, 1.0))
    h = x @ W
    coef = (dinv[src] * dinv[dst])[:, None]
    msg = jnp.take(h, src, axis=0) * coef
    out = jax.ops.segment_sum(msg, dst, num_segments=n)
    return out + b


def reference(x, edge_index, batch, W1, b1, W2, b2, Wg, bg, Wf, bf):
    h = jax.nn.relu(_gcn_conv(x, edge_index, W1, b1))
    # dropout p=0.5 with training=False -> identity (inference)
    h = _gcn_conv(h, edge_index, W2, b2)
    # global_mean_pool over `batch` segment ids
    counts = jax.ops.segment_sum(jnp.ones((h.shape[0],), h.dtype), batch, num_segments=B)
    sums = jax.ops.segment_sum(h, batch, num_segments=B)
    emb = sums / jnp.maximum(counts, 1.0)[:, None]
    group_logits = emb @ Wg + bg
    # per-group family classifiers, stacked: [NG, B, NF_PER]
    fam_logits = jnp.einsum('bd,gdf->gbf', emb, Wf) + bf[:, None, :]
    return (emb, group_logits, fam_logits)

if __name__ == "__main__":
    import jax
    _d = setup_inputs()
    print(jax.jit(kernel)(*tuple(_d.values())))

</pallas_src>

<mosaic_0001>
#map = affine_map<(d0, d1) -> (0, 0, 0, 0)>
#map1 = affine_map<(d0, d1) -> (0, 0, 0)>
module attributes {stable_mosaic.version = 14 : i64} {
  func.func @k(%arg0: i32, %arg1: i32, %arg2: memref<2x16x79x128xi32, #tpu.memory_space<hbm>>, %arg3: memref<2x10240x128xf32, #tpu.memory_space<hbm>>, %arg4: memref<79x128xi32, #tpu.memory_space<vmem>>, %arg5: memref<128x128xf32, #tpu.memory_space<vmem>>, %arg6: memref<10240x128xf32, #tpu.memory_space<vmem_shared>>) attributes {dimension_semantics = [#tpu.dimension_semantics<core_parallel>, #tpu.dimension_semantics<subcore_parallel>], iteration_bounds = array<i64: 2, 16>, scalar_prefetch = 0 : i64, scratch_operands = 3 : i64, tpu.core_type = #tpu.core_type<sc_vector_subcore>, window_params = [{transform_indices = #map}, {transform_indices = #map1}]} {
    %mul3A = arith.constant 640 : i32
    %mul3A_0 = arith.muli %arg1, %mul3A : i32
    %scan3A = arith.constant 0 : i32
    %scan3A_1 = arith.constant 128 : i32
    %scan3A_2 = arith.addi %scan3A, %scan3A_1 : i32
    %scan3A_3 = arith.constant 1 : i32
    scf.for %scan3A_21 = %scan3A to %scan3A_2 step %scan3A_3  : i32 {
      %mul3A_22 = arith.constant 1 : i32
      %mul3A_23 = arith.muli %scan3A_21, %mul3A_22 : i32
      %add3A = arith.constant 0 : i32
      %add3A_24 = arith.addi %add3A, %mul3A_23 : i32
      %scan3A_25 = arith.constant 0 : i32
      %scan3A_26 = arith.constant 8 : i32
      %scan3A_27 = arith.addi %scan3A_25, %scan3A_26 : i32
      %scan3A_28 = arith.constant 1 : i32
      scf.for %scan3A_30 = %scan3A_25 to %scan3A_27 step %scan3A_28  : i32 {
        %mul3A_31 = arith.constant 1 : i32
        %mul3A_32 = arith.muli %scan3A_30, %mul3A_31 : i32
        %add3A_33 = arith.constant 0 : i32
        %add3A_34 = arith.addi %add3A_33, %mul3A_32 : i32
        %broadcast_in_dim3A = arith.constant 0.000000e+00 : f32
        %broadcast_in_dim3A_35 = vector.broadcast %broadcast_in_dim3A : f32 to vector<16xf32>
        %mul3A_36 = arith.constant 16 : i32
        %mul3A_37 = arith.muli %add3A_34, %mul3A_36 : i32
        %swap3A = arith.index_cast %add3A_24 : i32 to index
        %swap3A_38 = arith.index_cast %mul3A_37 : i32 to index
        %swap3A_39 = tpu.vector_load %arg5[%swap3A, %swap3A_38] {strides = array<i32>} : memref<128x128xf32, #tpu.memory_space<vmem>>, vector<1x16xf32>,
        %swap3A_40 = vector.shape_cast %swap3A_39 : vector<1x16xf32> to vector<16xf32>
        %swap3A_41 = vector.shape_cast %broadcast_in_dim3A_35 : vector<16xf32> to vector<1x16xf32>
        tpu.vector_store %arg5[%swap3A, %swap3A_38], %swap3A_41 {strides = array<i32>} : memref<128x128xf32, #tpu.memory_space<vmem>>, vector<1x16xf32>,
      }
      %scan3A_29 = arith.constant 8 : i32
    }
    %scan3A_4 = arith.constant 128 : i32
    %scan3A_5 = arith.constant 0 : i32
    %scan3A_6 = arith.constant 5 : i32
    %scan3A_7 = arith.addi %scan3A_5, %scan3A_6 : i32
    %scan3A_8 = arith.constant 1 : i32
    scf.for %scan3A_21 = %scan3A_5 to %scan3A_7 step %scan3A_8  : i32 {
      %mul3A_22 = arith.constant 1 : i32
      %mul3A_23 = arith.muli %scan3A_21, %mul3A_22 : i32
      %add3A = arith.constant 0 : i32
      %add3A_24 = arith.addi %add3A, %mul3A_23 : i32
      %mul3A_25 = arith.constant 128 : i32
      %mul3A_26 = arith.muli %add3A_24, %mul3A_25 : i32
      %add3A_27 = arith.addi %mul3A_0, %mul3A_26 : i32
      "tpu.region"() ({
        %run_scoped3A = tpu.sem_alloc : memref<!tpu.dma_semaphore, #tpu.memory_space<semaphore_mem>>
        %dma_start3A = arith.constant 0 : i32
        %dma_start3A_28 = tpu.memref_slice %arg6[%add3A_27, %dma_start3A] : memref<10240x128xf32, #tpu.memory_space<vmem_shared>> -> memref<128x128xf32, #tpu.memory_space<vmem_shared>>
        %dma_start3A_29 = arith.constant 0 : i32
        %dma_start3A_30 = tpu.memref_slice %arg6[%add3A_27, %dma_start3A_29] : memref<10240x128xf32, #tpu.memory_space<vmem_shared>> -> memref<128x128xf32, #tpu.memory_space<vmem_shared>>
        tpu.enqueue_dma source(%arg5 : memref<128x128xf32, #tpu.memory_space<vmem>>) target(%dma_start3A_30 : memref<128x128xf32, #tpu.memory_space<vmem_shared>>) target_semaphore(%run_scoped3A : memref<!tpu.dma_semaphore, #tpu.memory_space<semaphore_mem>>)
        %dma_wait3A = arith.constant 0 : i32
        %dma_wait3A_31 = tpu.memref_slice %arg6[%add3A_27, %dma_wait3A] : memref<10240x128xf32, #tpu.memory_space<vmem_shared>> -> memref<128x128xf32, #tpu.memory_space<vmem_shared>>
        %dma_wait3A_32 = arith.constant 0 : i32
        %dma_wait3A_33 = tpu.memref_slice %arg6[%add3A_27, %dma_wait3A_32] : memref<10240x128xf32, #tpu.memory_space<vmem_shared>> -> memref<128x128xf32, #tpu.memory_space<vmem_shared>>
        tpu.wait_dma2 semaphore(%run_scoped3A : memref<!tpu.dma_semaphore, #tpu.memory_space<semaphore_mem>>) src(%arg5 : memref<128x128xf32, #tpu.memory_space<vmem>>) dst(%dma_wait3A_33 : memref<128x128xf32, #tpu.memory_space<vmem_shared>>)
        tpu.yield
      }) : () -> ()
    }
    %scan3A_9 = arith.constant 5 : i32
    %scan3A_10 = arith.constant 0 : i32
    %scan3A_11 = arith.constant 128 : i32
    %scan3A_12 = arith.addi %scan3A_10, %scan3A_11 : i32
    %scan3A_13 = arith.constant 1 : i32
    scf.for %scan3A_21 = %scan3A_10 to %scan3A_12 step %scan3A_13  : i32 {
      %mul3A_22 = arith.constant 1 : i32
      %mul3A_23 = arith.muli %scan3A_21, %mul3A_22 : i32
      %add3A = arith.constant 0 : i32
      %add3A_24 = arith.addi %add3A, %mul3A_23 : i32
      %scan3A_25 = arith.constant 0 : i32
      %scan3A_26 = arith.constant 8 : i32
      %scan3A_27 = arith.addi %scan3A_25, %scan3A_26 : i32
      %scan3A_28 = arith.constant 1 : i32
      scf.for %scan3A_30 = %scan3A_25 to %scan3A_27 step %scan3A_28  : i32 {
        %mul3A_31 = arith.constant 1 : i32
        %mul3A_32 = arith.muli %scan3A_30, %mul3A_31 : i32
        %add3A_33 = arith.constant 0 : i32
        %add3A_34 = arith.addi %add3A_33, %mul3A_32 : i32
        %broadcast_in_dim3A = arith.constant 1.000000e+00 : f32
        %broadcast_in_dim3A_35 = vector.broadcast %broadcast_in_dim3A : f32 to vector<16xf32>
        %mul3A_36 = arith.constant 16 : i32
        %mul3A_37 = arith.muli %add3A_34, %mul3A_36 : i32
        %swap3A = arith.index_cast %add3A_24 : i32 to index
        %swap3A_38 = arith.index_cast %mul3A_37 : i32 to index
        %swap3A_39 = tpu.vector_load %arg5[%swap3A, %swap3A_38] {strides = array<i32>} : memref<128x128xf32, #tpu.memory_space<vmem>>, vector<1x16xf32>,
        %swap3A_40 = vector.shape_cast %swap3A_39 : vector<1x16xf32> to vector<16xf32>
        %swap3A_41 = vector.shape_cast %broadcast_in_dim3A_35 : vector<16xf32> to vector<1x16xf32>
        tpu.vector_store %arg5[%swap3A, %swap3A_38], %swap3A_41 {strides = array<i32>} : memref<128x128xf32, #tpu.memory_space<vmem>>, vector<1x16xf32>,
      }
      %scan3A_29 = arith.constant 8 : i32
    }
    %scan3A_14 = arith.constant 128 : i32
    "tpu.region"() ({
      %run_scoped3A = tpu.sem_alloc : memref<!tpu.dma_semaphore, #tpu.memory_space<semaphore_mem>>
      %dma_start3A = arith.constant 0 : i32
      %dma_start3A_21 = arith.constant 0 : i32
      %dma_start3A_22 = arith.constant 0 : i32
      %dma_start3A_23 = tpu.memref_slice %arg2[%arg0, %dma_start3A, %dma_start3A_21, %dma_start3A_22] : memref<2x16x79x128xi32, #tpu.memory_space<hbm>> -> memref<1x16x79x128xi32, #tpu.memory_space<hbm>>
      %dma_start3A_24 = tpu.memref_squeeze %dma_start3A_23 : memref<1x16x79x128xi32, #tpu.memory_space<hbm>> -> memref<16x79x128xi32, #tpu.memory_space<hbm>>
      %dma_start3A_25 = arith.constant 0 : i32
      %dma_start3A_26 = arith.constant 0 : i32
      %dma_start3A_27 = tpu.memref_slice %dma_start3A_24[%arg1, %dma_start3A_25, %dma_start3A_26] : memref<16x79x128xi32, #tpu.memory_space<hbm>> -> memref<1x79x128xi32, #tpu.memory_space<hbm>>
      %dma_start3A_28 = tpu.memref_squeeze %dma_start3A_27 : memref<1x79x128xi32, #tpu.memory_space<hbm>> -> memref<79x128xi32, #tpu.memory_space<hbm>>
      %dma_start3A_29 = arith.constant 0 : i32
      %dma_start3A_30 = arith.constant 0 : i32
      %dma_start3A_31 = arith.constant 0 : i32
      %dma_start3A_32 = tpu.memref_slice %arg2[%arg0, %dma_start3A_29, %dma_start3A_30, %dma_start3A_31] : memref<2x16x79x128xi32, #tpu.memory_space<hbm>> -> memref<1x16x79x128xi32, #tpu.memory_space<hbm>>
      %dma_start3A_33 = tpu.memref_squeeze %dma_start3A_32 : memref<1x16x79x128xi32, #tpu.memory_space<hbm>> -> memref<16x79x128xi32, #tpu.memory_space<hbm>>
      %dma_start3A_34 = arith.constant 0 : i32
      %dma_start3A_35 = arith.constant 0 : i32
      %dma_start3A_36 = tpu.memref_slice %dma_start3A_33[%arg1, %dma_start3A_34, %dma_start3A_35] : memref<16x79x128xi32, #tpu.memory_space<hbm>> -> memref<1x79x128xi32, #tpu.memory_space<hbm>>
      %dma_start3A_37 = tpu.memref_squeeze %dma_start3A_36 : memref<1x79x128xi32, #tpu.memory_space<hbm>> -> memref<79x128xi32, #tpu.memory_space<hbm>>
      tpu.enqueue_dma source(%dma_start3A_37 : memref<79x128xi32, #tpu.memory_space<hbm>>) target(%arg4 : memref<79x128xi32, #tpu.memory_space<vmem>>) target_semaphore(%run_scoped3A : memref<!tpu.dma_semaphore, #tpu.memory_space<semaphore_mem>>)
      %dma_wait3A = arith.constant 0 : i32
      %dma_wait3A_38 = arith.constant 0 : i32
      %dma_wait3A_39 = arith.constant 0 : i32
      %dma_wait3A_40 = tpu.memref_slice %arg2[%arg0, %dma_wait3A, %dma_wait3A_38, %dma_wait3A_39] : memref<2x16x79x128xi32, #tpu.memory_space<hbm>> -> memref<1x16x79x128xi32, #tpu.memory_space<hbm>>
      %dma_wait3A_41 = tpu.memref_squeeze %dma_wait3A_40 : memref<1x16x79x128xi32, #tpu.memory_space<hbm>> -> memref<16x79x128xi32, #tpu.memory_space<hbm>>
      %dma_wait3A_42 = arith.constant 0 : i32
      %dma_wait3A_43 = arith.constant 0 : i32
      %dma_wait3A_44 = tpu.memref_slice %dma_wait3A_41[%arg1, %dma_wait3A_42, %dma_wait3A_43] : memref<16x79x128xi32, #tpu.memory_space<hbm>> -> memref<1x79x128xi32, #tpu.memory_space<hbm>>
      %dma_wait3A_45 = tpu.memref_squeeze %dma_wait3A_44 : memref<1x79x128xi32, #tpu.memory_space<hbm>> -> memref<79x128xi32, #tpu.memory_space<hbm>>
      %dma_wait3A_46 = arith.constant 0 : i32
      %dma_wait3A_47 = arith.constant 0 : i32
      %dma_wait3A_48 = arith.constant 0 : i32
      %dma_wait3A_49 = tpu.memref_slice %arg2[%arg0, %dma_wait3A_46, %dma_wait3A_47, %dma_wait3A_48] : memref<2x16x79x128xi32, #tpu.memory_space<hbm>> -> memref<1x16x79x128xi32, #tpu.memory_space<hbm>>
      %dma_wait3A_50 = tpu.memref_squeeze %dma_wait3A_49 : memref<1x16x79x128xi32, #tpu.memory_space<hbm>> -> memref<16x79x128xi32, #tpu.memory_space<hbm>>
      %dma_wait3A_51 = arith.constant 0 : i32
      %dma_wait3A_52 = arith.constant 0 : i32
      %dma_wait3A_53 = tpu.memref_slice %dma_wait3A_50[%arg1, %dma_wait3A_51, %dma_wait3A_52] : memref<16x79x128xi32, #tpu.memory_space<hbm>> -> memref<1x79x128xi32, #tpu.memory_space<hbm>>
      %dma_wait3A_54 = tpu.memref_squeeze %dma_wait3A_53 : memref<1x79x128xi32, #tpu.memory_space<hbm>> -> memref<79x128xi32, #tpu.memory_space<hbm>>
      tpu.wait_dma2 semaphore(%run_scoped3A : memref<!tpu.dma_semaphore, #tpu.memory_space<semaphore_mem>>) src(%dma_wait3A_54 : memref<79x128xi32, #tpu.memory_space<hbm>>) dst(%arg4 : memref<79x128xi32, #tpu.memory_space<vmem>>)
      tpu.yield
    }) : () -> ()
    %barrier3A = arith.constant 0 : index
    tpu.barrier barrier_id(%barrier3A)
    %scan3A_15 = arith.constant 0 : i32
    %scan3A_16 = arith.constant 79 : i32
    %scan3A_17 = arith.addi %scan3A_15, %scan3A_16 : i32
    %scan3A_18 = arith.constant 1 : i32
    scf.for %scan3A_21 = %scan3A_15 to %scan3A_17 step %scan3A_18  : i32 {
      %mul3A_22 = arith.constant 1 : i32
      %mul3A_23 = arith.muli %scan3A_21, %mul3A_22 : i32
      %add3A = arith.constant 0 : i32
      %add3A_24 = arith.addi %add3A, %mul3A_23 : i32
      "tpu.region"() ({
        %run_scoped3A = tpu.sem_alloc : memref<!tpu.dma_semaphore, #tpu.memory_space<semaphore_mem>>
        %dma_start3A = arith.constant 0 : i32
        %dma_start3A_25 = tpu.memref_slice %arg4[%add3A_24, %dma_start3A] : memref<79x128xi32, #tpu.memory_space<vmem>> -> memref<1x128xi32, #tpu.memory_space<vmem>>
        %dma_start3A_26 = tpu.memref_squeeze %dma_start3A_25 : memref<1x128xi32, #tpu.memory_space<vmem>> -> memref<128xi32, #tpu.memory_space<vmem>>
        %dma_start3A_27 = arith.constant 0 : i32
        %dma_start3A_28 = arith.constant 0 : i32
        %dma_start3A_29 = tpu.memref_slice %arg6[%dma_start3A_27, %dma_start3A_28] : memref<10240x128xf32, #tpu.memory_space<vmem_shared>> -> memref<10240x128xf32, #tpu.memory_space<vmem_shared>>
        tpu.enqueue_indirect_dma source(%arg5 : memref<128x128xf32, #tpu.memory_space<vmem>>) target(%dma_start3A_29 : memref<10240x128xf32, #tpu.memory_space<vmem_shared>>) offsets(%dma_start3A_26 : memref<128xi32, #tpu.memory_space<vmem>>) semaphore(%run_scoped3A : memref<!tpu.dma_semaphore, #tpu.memory_space<semaphore_mem>>) {add = true}
        %dma_wait3A = arith.constant 0 : i32
        %dma_wait3A_30 = tpu.memref_slice %arg4[%add3A_24, %dma_wait3A] : memref<79x128xi32, #tpu.memory_space<vmem>> -> memref<1x128xi32, #tpu.memory_space<vmem>>
        %dma_wait3A_31 = tpu.memref_squeeze %dma_wait3A_30 : memref<1x128xi32, #tpu.memory_space<vmem>> -> memref<128xi32, #tpu.memory_space<vmem>>
        %dma_wait3A_32 = arith.constant 0 : i32
        %dma_wait3A_33 = arith.constant 0 : i32
        %dma_wait3A_34 = tpu.memref_slice %arg6[%dma_wait3A_32, %dma_wait3A_33] : memref<10240x128xf32, #tpu.memory_space<vmem_shared>> -> memref<10240x128xf32, #tpu.memory_space<vmem_shared>>
        tpu.wait_indirect_dma semaphore(%run_scoped3A : memref<!tpu.dma_semaphore, #tpu.memory_space<semaphore_mem>>) src(%arg5 : memref<128x128xf32, #tpu.memory_space<vmem>>) dst(%dma_wait3A_34 : memref<10240x128xf32, #tpu.memory_space<vmem_shared>>)
        tpu.yield
      }) : () -> ()
    }
    %scan3A_19 = arith.constant 79 : i32
    %barrier3A_20 = arith.constant 0 : index
    tpu.barrier barrier_id(%barrier3A_20)
    "tpu.region"() ({
      %run_scoped3A = tpu.sem_alloc : memref<!tpu.dma_semaphore, #tpu.memory_space<semaphore_mem>>
      %dma_start3A = arith.constant 0 : i32
      %dma_start3A_21 = arith.constant 0 : i32
      %dma_start3A_22 = tpu.memref_slice %arg3[%arg0, %dma_start3A, %dma_start3A_21] : memref<2x10240x128xf32, #tpu.memory_space<hbm>> -> memref<1x10240x128xf32, #tpu.memory_space<hbm>>
      %dma_start3A_23 = tpu.memref_squeeze %dma_start3A_22 : memref<1x10240x128xf32, #tpu.memory_space<hbm>> -> memref<10240x128xf32, #tpu.memory_space<hbm>>
      %dma_start3A_24 = arith.constant 0 : i32
      %dma_start3A_25 = tpu.memref_slice %dma_start3A_23[%mul3A_0, %dma_start3A_24] : memref<10240x128xf32, #tpu.memory_space<hbm>> -> memref<640x128xf32, #tpu.memory_space<hbm>>
      %dma_start3A_26 = arith.constant 0 : i32
      %dma_start3A_27 = tpu.memref_slice %arg6[%mul3A_0, %dma_start3A_26] : memref<10240x128xf32, #tpu.memory_space<vmem_shared>> -> memref<640x128xf32, #tpu.memory_space<vmem_shared>>
      tpu.enqueue_dma source(%dma_start3A_27 : memref<640x128xf32, #tpu.memory_space<vmem_shared>>) target(%dma_start3A_25 : memref<640x128xf32, #tpu.memory_space<hbm>>) target_semaphore(%run_scoped3A : memref<!tpu.dma_semaphore, #tpu.memory_space<semaphore_mem>>)
      %dma_wait3A = arith.constant 0 : i32
      %dma_wait3A_28 = arith.constant 0 : i32
      %dma_wait3A_29 = tpu.memref_slice %arg3[%arg0, %dma_wait3A, %dma_wait3A_28] : memref<2x10240x128xf32, #tpu.memory_space<hbm>> -> memref<1x10240x128xf32, #tpu.memory_space<hbm>>
      %dma_wait3A_30 = tpu.memref_squeeze %dma_wait3A_29 : memref<1x10240x128xf32, #tpu.memory_space<hbm>> -> memref<10240x128xf32, #tpu.memory_space<hbm>>
      %dma_wait3A_31 = arith.constant 0 : i32
      %dma_wait3A_32 = tpu.memref_slice %dma_wait3A_30[%mul3A_0, %dma_wait3A_31] : memref<10240x128xf32, #tpu.memory_space<hbm>> -> memref<640x128xf32, #tpu.memory_space<hbm>>
      %dma_wait3A_33 = arith.constant 0 : i32
      %dma_wait3A_34 = tpu.memref_slice %arg6[%mul3A_0, %dma_wait3A_33] : memref<10240x128xf32, #tpu.memory_space<vmem_shared>> -> memref<640x128xf32, #tpu.memory_space<vmem_shared>>
      tpu.wait_dma2 semaphore(%run_scoped3A : memref<!tpu.dma_semaphore, #tpu.memory_space<semaphore_mem>>) src(%dma_wait3A_34 : memref<640x128xf32, #tpu.memory_space<vmem_shared>>) dst(%dma_wait3A_32 : memref<640x128xf32, #tpu.memory_space<hbm>>)
      tpu.yield
    }) : () -> ()
    return
  }
}

#map = affine_map<(d0, d1) -> (0, 0)>
#map1 = affine_map<(d0, d1) -> (0, 0, 0)>
module attributes {stable_mosaic.version = 14 : i64} {
  func.func @k(%arg0: i32, %arg1: i32, %arg2: memref<10240x128xf32, #tpu.memory_space<hbm>>, %arg3: memref<10240x128xf32, #tpu.memory_space<hbm>>, %arg4: memref<16x79x128xi32, #tpu.memory_space<hbm>>, %arg5: memref<16x79x128xi32, #tpu.memory_space<hbm>>, %arg6: memref<2x10240x128xf32, #tpu.memory_space<hbm>>, %arg7: memref<79x128xi32, #tpu.memory_space<vmem>>, %arg8: memref<79x128xi32, #tpu.memory_space<vmem>>, %arg9: memref<128x128xf32, #tpu.memory_space<vmem>>, %arg10: memref<10240x128xf32, #tpu.memory_space<vmem_shared>>) attributes {dimension_semantics = [#tpu.dimension_semantics<core_parallel>, #tpu.dimension_semantics<subcore_parallel>], iteration_bounds = array<i64: 2, 16>, scalar_prefetch = 0 : i64, scratch_operands = 4 : i64, tpu.core_type = #tpu.core_type<sc_vector_subcore>, window_params = [{transform_indices = #map}, {transform_indices = #map}, {transform_indices = #map1}, {transform_indices = #map1}, {transform_indices = #map1}]} {
    %mul3A = arith.constant 640 : i32
    %mul3A_0 = arith.muli %arg1, %mul3A : i32
    %scan3A = arith.constant 0 : i32
    %scan3A_1 = arith.constant 128 : i32
    %scan3A_2 = arith.addi %scan3A, %scan3A_1 : i32
    %scan3A_3 = arith.constant 1 : i32
    scf.for %scan3A_16 = %scan3A to %scan3A_2 step %scan3A_3  : i32 {
      %mul3A_17 = arith.constant 1 : i32
      %mul3A_18 = arith.muli %scan3A_16, %mul3A_17 : i32
      %add3A = arith.constant 0 : i32
      %add3A_19 = arith.addi %add3A, %mul3A_18 : i32
      %scan3A_20 = arith.constant 0 : i32
      %scan3A_21 = arith.constant 8 : i32
      %scan3A_22 = arith.addi %scan3A_20, %scan3A_21 : i32
      %scan3A_23 = arith.constant 1 : i32
      scf.for %scan3A_25 = %scan3A_20 to %scan3A_22 step %scan3A_23  : i32 {
        %mul3A_26 = arith.constant 1 : i32
        %mul3A_27 = arith.muli %scan3A_25, %mul3A_26 : i32
        %add3A_28 = arith.constant 0 : i32
        %add3A_29 = arith.addi %add3A_28, %mul3A_27 : i32
        %broadcast_in_dim3A = arith.constant 0.000000e+00 : f32
        %broadcast_in_dim3A_30 = vector.broadcast %broadcast_in_dim3A : f32 to vector<16xf32>
        %mul3A_31 = arith.constant 16 : i32
        %mul3A_32 = arith.muli %add3A_29, %mul3A_31 : i32
        %swap3A = arith.index_cast %add3A_19 : i32 to index
        %swap3A_33 = arith.index_cast %mul3A_32 : i32 to index
        %swap3A_34 = tpu.vector_load %arg9[%swap3A, %swap3A_33] {strides = array<i32>} : memref<128x128xf32, #tpu.memory_space<vmem>>, vector<1x16xf32>,
        %swap3A_35 = vector.shape_cast %swap3A_34 : vector<1x16xf32> to vector<16xf32>
        %swap3A_36 = vector.shape_cast %broadcast_in_dim3A_30 : vector<16xf32> to vector<1x16xf32>
        tpu.vector_store %arg9[%swap3A, %swap3A_33], %swap3A_36 {strides = array<i32>} : memref<128x128xf32, #tpu.memory_space<vmem>>, vector<1x16xf32>,
      }
      %scan3A_24 = arith.constant 8 : i32
    }
    %scan3A_4 = arith.constant 128 : i32
    %scan3A_5 = arith.constant 0 : i32
    %scan3A_6 = arith.constant 5 : i32
    %scan3A_7 = arith.addi %scan3A_5, %scan3A_6 : i32
    %scan3A_8 = arith.constant 1 : i32
    scf.for %scan3A_16 = %scan3A_5 to %scan3A_7 step %scan3A_8  : i32 {
      %mul3A_17 = arith.constant 1 : i32
      %mul3A_18 = arith.muli %scan3A_16, %mul3A_17 : i32
      %add3A = arith.constant 0 : i32
      %add3A_19 = arith.addi %add3A, %mul3A_18 : i32
      %mul3A_20 = arith.constant 640 : i32
      %mul3A_21 = arith.muli %arg1, %mul3A_20 : i32
      %mul3A_22 = arith.constant 128 : i32
      %mul3A_23 = arith.muli %add3A_19, %mul3A_22 : i32
      %add3A_24 = arith.addi %mul3A_21, %mul3A_23 : i32
      "tpu.region"() ({
        %run_scoped3A = tpu.sem_alloc : memref<!tpu.dma_semaphore, #tpu.memory_space<semaphore_mem>>
        %dma_start3A = arith.constant 0 : i32
        %dma_start3A_25 = tpu.memref_slice %arg10[%add3A_24, %dma_start3A] : memref<10240x128xf32, #tpu.memory_space<vmem_shared>> -> memref<128x128xf32, #tpu.memory_space<vmem_shared>>
        %dma_start3A_26 = arith.constant 0 : i32
        %dma_start3A_27 = tpu.memref_slice %arg10[%add3A_24, %dma_start3A_26] : memref<10240x128xf32, #tpu.memory_space<vmem_shared>> -> memref<128x128xf32, #tpu.memory_space<vmem_shared>>
        tpu.enqueue_dma source(%arg9 : memref<128x128xf32, #tpu.memory_space<vmem>>) target(%dma_start3A_27 : memref<128x128xf32, #tpu.memory_space<vmem_shared>>) target_semaphore(%run_scoped3A : memref<!tpu.dma_semaphore, #tpu.memory_space<semaphore_mem>>)
        %dma_wait3A = arith.constant 0 : i32
        %dma_wait3A_28 = tpu.memref_slice %arg10[%add3A_24, %dma_wait3A] : memref<10240x128xf32, #tpu.memory_space<vmem_shared>> -> memref<128x128xf32, #tpu.memory_space<vmem_shared>>
        %dma_wait3A_29 = arith.constant 0 : i32
        %dma_wait3A_30 = tpu.memref_slice %arg10[%add3A_24, %dma_wait3A_29] : memref<10240x128xf32, #tpu.memory_space<vmem_shared>> -> memref<128x128xf32, #tpu.memory_space<vmem_shared>>
        tpu.wait_dma2 semaphore(%run_scoped3A : memref<!tpu.dma_semaphore, #tpu.memory_space<semaphore_mem>>) src(%arg9 : memref<128x128xf32, #tpu.memory_space<vmem>>) dst(%dma_wait3A_30 : memref<128x128xf32, #tpu.memory_space<vmem_shared>>)
        tpu.yield
      }) : () -> ()
    }
    %scan3A_9 = arith.constant 5 : i32
    "tpu.region"() ({
      %run_scoped3A = tpu.sem_alloc : memref<!tpu.dma_semaphore, #tpu.memory_space<semaphore_mem>>
      %dma_start3A = arith.constant 0 : i32
      %dma_start3A_16 = arith.constant 0 : i32
      %dma_start3A_17 = tpu.memref_slice %arg4[%arg1, %dma_start3A, %dma_start3A_16] : memref<16x79x128xi32, #tpu.memory_space<hbm>> -> memref<1x79x128xi32, #tpu.memory_space<hbm>>
      %dma_start3A_18 = tpu.memref_squeeze %dma_start3A_17 : memref<1x79x128xi32, #tpu.memory_space<hbm>> -> memref<79x128xi32, #tpu.memory_space<hbm>>
      %dma_start3A_19 = arith.constant 0 : i32
      %dma_start3A_20 = arith.constant 0 : i32
      %dma_start3A_21 = tpu.memref_slice %arg4[%arg1, %dma_start3A_19, %dma_start3A_20] : memref<16x79x128xi32, #tpu.memory_space<hbm>> -> memref<1x79x128xi32, #tpu.memory_space<hbm>>
      %dma_start3A_22 = tpu.memref_squeeze %dma_start3A_21 : memref<1x79x128xi32, #tpu.memory_space<hbm>> -> memref<79x128xi32, #tpu.memory_space<hbm>>
      tpu.enqueue_dma source(%dma_start3A_22 : memref<79x128xi32, #tpu.memory_space<hbm>>) target(%arg7 : memref<79x128xi32, #tpu.memory_space<vmem>>) target_semaphore(%run_scoped3A : memref<!tpu.dma_semaphore, #tpu.memory_space<semaphore_mem>>)
      %dma_wait3A = arith.constant 0 : i32
      %dma_wait3A_23 = arith.constant 0 : i32
      %dma_wait3A_24 = tpu.memref_slice %arg4[%arg1, %dma_wait3A, %dma_wait3A_23] : memref<16x79x128xi32, #tpu.memory_space<hbm>> -> memref<1x79x128xi32, #tpu.memory_space<hbm>>
      %dma_wait3A_25 = tpu.memref_squeeze %dma_wait3A_24 : memref<1x79x128xi32, #tpu.memory_space<hbm>> -> memref<79x128xi32, #tpu.memory_space<hbm>>
      %dma_wait3A_26 = arith.constant 0 : i32
      %dma_wait3A_27 = arith.constant 0 : i32
      %dma_wait3A_28 = tpu.memref_slice %arg4[%arg1, %dma_wait3A_26, %dma_wait3A_27] : memref<16x79x128xi32, #tpu.memory_space<hbm>> -> memref<1x79x128xi32, #tpu.memory_space<hbm>>
      %dma_wait3A_29 = tpu.memref_squeeze %dma_wait3A_28 : memref<1x79x128xi32, #tpu.memory_space<hbm>> -> memref<79x128xi32, #tpu.memory_space<hbm>>
      tpu.wait_dma2 semaphore(%run_scoped3A : memref<!tpu.dma_semaphore, #tpu.memory_space<semaphore_mem>>) src(%dma_wait3A_29 : memref<79x128xi32, #tpu.memory_space<hbm>>) dst(%arg7 : memref<79x128xi32, #tpu.memory_space<vmem>>)
      tpu.yield
    }) : () -> ()
    "tpu.region"() ({
      %run_scoped3A = tpu.sem_alloc : memref<!tpu.dma_semaphore, #tpu.memory_space<semaphore_mem>>
      %dma_start3A = arith.constant 0 : i32
      %dma_start3A_16 = arith.constant 0 : i32
      %dma_start3A_17 = tpu.memref_slice %arg5[%arg1, %dma_start3A, %dma_start3A_16] : memref<16x79x128xi32, #tpu.memory_space<hbm>> -> memref<1x79x128xi32, #tpu.memory_space<hbm>>
      %dma_start3A_18 = tpu.memref_squeeze %dma_start3A_17 : memref<1x79x128xi32, #tpu.memory_space<hbm>> -> memref<79x128xi32, #tpu.memory_space<hbm>>
      %dma_start3A_19 = arith.constant 0 : i32
      %dma_start3A_20 = arith.constant 0 : i32
      %dma_start3A_21 = tpu.memref_slice %arg5[%arg1, %dma_start3A_19, %dma_start3A_20] : memref<16x79x128xi32, #tpu.memory_space<hbm>> -> memref<1x79x128xi32, #tpu.memory_space<hbm>>
      %dma_start3A_22 = tpu.memref_squeeze %dma_start3A_21 : memref<1x79x128xi32, #tpu.memory_space<hbm>> -> memref<79x128xi32, #tpu.memory_space<hbm>>
      tpu.enqueue_dma source(%dma_start3A_22 : memref<79x128xi32, #tpu.memory_space<hbm>>) target(%arg8 : memref<79x128xi32, #tpu.memory_space<vmem>>) target_semaphore(%run_scoped3A : memref<!tpu.dma_semaphore, #tpu.memory_space<semaphore_mem>>)
      %dma_wait3A = arith.constant 0 : i32
      %dma_wait3A_23 = arith.constant 0 : i32
      %dma_wait3A_24 = tpu.memref_slice %arg5[%arg1, %dma_wait3A, %dma_wait3A_23] : memref<16x79x128xi32, #tpu.memory_space<hbm>> -> memref<1x79x128xi32, #tpu.memory_space<hbm>>
      %dma_wait3A_25 = tpu.memref_squeeze %dma_wait3A_24 : memref<1x79x128xi32, #tpu.memory_space<hbm>> -> memref<79x128xi32, #tpu.memory_space<hbm>>
      %dma_wait3A_26 = arith.constant 0 : i32
      %dma_wait3A_27 = arith.constant 0 : i32
      %dma_wait3A_28 = tpu.memref_slice %arg5[%arg1, %dma_wait3A_26, %dma_wait3A_27] : memref<16x79x128xi32, #tpu.memory_space<hbm>> -> memref<1x79x128xi32, #tpu.memory_space<hbm>>
      %dma_wait3A_29 = tpu.memref_squeeze %dma_wait3A_28 : memref<1x79x128xi32, #tpu.memory_space<hbm>> -> memref<79x128xi32, #tpu.memory_space<hbm>>
      tpu.wait_dma2 semaphore(%run_scoped3A : memref<!tpu.dma_semaphore, #tpu.memory_space<semaphore_mem>>) src(%dma_wait3A_29 : memref<79x128xi32, #tpu.memory_space<hbm>>) dst(%arg8 : memref<79x128xi32, #tpu.memory_space<vmem>>)
      tpu.yield
    }) : () -> ()
    %barrier3A = arith.constant 0 : index
    tpu.barrier barrier_id(%barrier3A)
    %scan3A_10 = arith.constant 0 : i32
    %scan3A_11 = arith.constant 79 : i32
    %scan3A_12 = arith.addi %scan3A_10, %scan3A_11 : i32
    %scan3A_13 = arith.constant 1 : i32
    scf.for %scan3A_16 = %scan3A_10 to %scan3A_12 step %scan3A_13  : i32 {
      %mul3A_17 = arith.constant 1 : i32
      %mul3A_18 = arith.muli %scan3A_16, %mul3A_17 : i32
      %add3A = arith.constant 0 : i32
      %add3A_19 = arith.addi %add3A, %mul3A_18 : i32
      %eq3A = arith.constant 0 : i32
      %eq3A_20 = arith.cmpi eq, %arg0, %eq3A : i32
      %convert_element_type3A = arith.extui %eq3A_20 : i1 to i32
      %cond3A = arith.constant 0 : i32
      %cond3A_21 = arith.cmpi ne, %convert_element_type3A, %cond3A : i32
      scf.if %cond3A_21 {
        "tpu.region"() ({
          %run_scoped3A = tpu.sem_alloc : memref<!tpu.dma_semaphore, #tpu.memory_space<semaphore_mem>>
          %dma_start3A = arith.constant 0 : i32
          %dma_start3A_26 = tpu.memref_slice %arg7[%add3A_19, %dma_start3A] : memref<79x128xi32, #tpu.memory_space<vmem>> -> memref<1x128xi32, #tpu.memory_space<vmem>>
          %dma_start3A_27 = tpu.memref_squeeze %dma_start3A_26 : memref<1x128xi32, #tpu.memory_space<vmem>> -> memref<128xi32, #tpu.memory_space<vmem>>
          %dma_start3A_28 = arith.constant 0 : i32
          %dma_start3A_29 = arith.constant 0 : i32
          %dma_start3A_30 = tpu.memref_slice %arg2[%dma_start3A_28, %dma_start3A_29] : memref<10240x128xf32, #tpu.memory_space<hbm>> -> memref<10240x128xf32, #tpu.memory_space<hbm>>
          tpu.enqueue_indirect_dma source(%dma_start3A_30 : memref<10240x128xf32, #tpu.memory_space<hbm>>) target(%arg9 : memref<128x128xf32, #tpu.memory_space<vmem>>) offsets(%dma_start3A_27 : memref<128xi32, #tpu.memory_space<vmem>>) semaphore(%run_scoped3A : memref<!tpu.dma_semaphore, #tpu.memory_space<semaphore_mem>>)
          %dma_wait3A = arith.constant 0 : i32
          %dma_wait3A_31 = tpu.memref_slice %arg7[%add3A_19, %dma_wait3A] : memref<79x128xi32, #tpu.memory_space<vmem>> -> memref<1x128xi32, #tpu.memory_space<vmem>>
          %dma_wait3A_32 = tpu.memref_squeeze %dma_wait3A_31 : memref<1x128xi32, #tpu.memory_space<vmem>> -> memref<128xi32, #tpu.memory_space<vmem>>
          %dma_wait3A_33 = arith.constant 0 : i32
          %dma_wait3A_34 = arith.constant 0 : i32
          %dma_wait3A_35 = tpu.memref_slice %arg2[%dma_wait3A_33, %dma_wait3A_34] : memref<10240x128xf32, #tpu.memory_space<hbm>> -> memref<10240x128xf32, #tpu.memory_space<hbm>>
          tpu.wait_indirect_dma semaphore(%run_scoped3A : memref<!tpu.dma_semaphore, #tpu.memory_space<semaphore_mem>>) src(%dma_wait3A_35 : memref<10240x128xf32, #tpu.memory_space<hbm>>) dst(%arg9 : memref<128x128xf32, #tpu.memory_space<vmem>>)
          tpu.yield
        }) : () -> ()
      } else {
      }
      %ne3A = arith.constant 0 : i32
      %ne3A_22 = arith.cmpi ne, %arg0, %ne3A : i32
      %convert_element_type3A_23 = arith.extui %ne3A_22 : i1 to i32
      %cond3A_24 = arith.constant 0 : i32
      %cond3A_25 = arith.cmpi ne, %convert_element_type3A_23, %cond3A_24 : i32
      scf.if %cond3A_25 {
        "tpu.region"() ({
          %run_scoped3A = tpu.sem_alloc : memref<!tpu.dma_semaphore, #tpu.memory_space<semaphore_mem>>
          %dma_start3A = arith.constant 0 : i32
          %dma_start3A_26 = tpu.memref_slice %arg7[%add3A_19, %dma_start3A] : memref<79x128xi32, #tpu.memory_space<vmem>> -> memref<1x128xi32, #tpu.memory_space<vmem>>
          %dma_start3A_27 = tpu.memref_squeeze %dma_start3A_26 : memref<1x128xi32, #tpu.memory_space<vmem>> -> memref<128xi32, #tpu.memory_space<vmem>>
          %dma_start3A_28 = arith.constant 0 : i32
          %dma_start3A_29 = arith.constant 0 : i32
          %dma_start3A_30 = tpu.memref_slice %arg3[%dma_start3A_28, %dma_start3A_29] : memref<10240x128xf32, #tpu.memory_space<hbm>> -> memref<10240x128xf32, #tpu.memory_space<hbm>>
          tpu.enqueue_indirect_dma source(%dma_start3A_30 : memref<10240x128xf32, #tpu.memory_space<hbm>>) target(%arg9 : memref<128x128xf32, #tpu.memory_space<vmem>>) offsets(%dma_start3A_27 : memref<128xi32, #tpu.memory_space<vmem>>) semaphore(%run_scoped3A : memref<!tpu.dma_semaphore, #tpu.memory_space<semaphore_mem>>)
          %dma_wait3A = arith.constant 0 : i32
          %dma_wait3A_31 = tpu.memref_slice %arg7[%add3A_19, %dma_wait3A] : memref<79x128xi32, #tpu.memory_space<vmem>> -> memref<1x128xi32, #tpu.memory_space<vmem>>
          %dma_wait3A_32 = tpu.memref_squeeze %dma_wait3A_31 : memref<1x128xi32, #tpu.memory_space<vmem>> -> memref<128xi32, #tpu.memory_space<vmem>>
          %dma_wait3A_33 = arith.constant 0 : i32
          %dma_wait3A_34 = arith.constant 0 : i32
          %dma_wait3A_35 = tpu.memref_slice %arg3[%dma_wait3A_33, %dma_wait3A_34] : memref<10240x128xf32, #tpu.memory_space<hbm>> -> memref<10240x128xf32, #tpu.memory_space<hbm>>
          tpu.wait_indirect_dma semaphore(%run_scoped3A : memref<!tpu.dma_semaphore, #tpu.memory_space<semaphore_mem>>) src(%dma_wait3A_35 : memref<10240x128xf32, #tpu.memory_space<hbm>>) dst(%arg9 : memref<128x128xf32, #tpu.memory_space<vmem>>)
          tpu.yield
        }) : () -> ()
      } else {
      }
      "tpu.region"() ({
        %run_scoped3A = tpu.sem_alloc : memref<!tpu.dma_semaphore, #tpu.memory_space<semaphore_mem>>
        %dma_start3A = arith.constant 0 : i32
        %dma_start3A_26 = tpu.memref_slice %arg8[%add3A_19, %dma_start3A] : memref<79x128xi32, #tpu.memory_space<vmem>> -> memref<1x128xi32, #tpu.memory_space<vmem>>
        %dma_start3A_27 = tpu.memref_squeeze %dma_start3A_26 : memref<1x128xi32, #tpu.memory_space<vmem>> -> memref<128xi32, #tpu.memory_space<vmem>>
        %dma_start3A_28 = arith.constant 0 : i32
        %dma_start3A_29 = arith.constant 0 : i32
        %dma_start3A_30 = tpu.memref_slice %arg10[%dma_start3A_28, %dma_start3A_29] : memref<10240x128xf32, #tpu.memory_space<vmem_shared>> -> memref<10240x128xf32, #tpu.memory_space<vmem_shared>>
        tpu.enqueue_indirect_dma source(%arg9 : memref<128x128xf32, #tpu.memory_space<vmem>>) target(%dma_start3A_30 : memref<10240x128xf32, #tpu.memory_space<vmem_shared>>) offsets(%dma_start3A_27 : memref<128xi32, #tpu.memory_space<vmem>>) semaphore(%run_scoped3A : memref<!tpu.dma_semaphore, #tpu.memory_space<semaphore_mem>>) {add = true}
        %dma_wait3A = arith.constant 0 : i32
        %dma_wait3A_31 = tpu.memref_slice %arg8[%add3A_19, %dma_wait3A] : memref<79x128xi32, #tpu.memory_space<vmem>> -> memref<1x128xi32, #tpu.memory_space<vmem>>
        %dma_wait3A_32 = tpu.memref_squeeze %dma_wait3A_31 : memref<1x128xi32, #tpu.memory_space<vmem>> -> memref<128xi32, #tpu.memory_space<vmem>>
        %dma_wait3A_33 = arith.constant 0 : i32
        %dma_wait3A_34 = arith.constant 0 : i32
        %dma_wait3A_35 = tpu.memref_slice %arg10[%dma_wait3A_33, %dma_wait3A_34] : memref<10240x128xf32, #tpu.memory_space<vmem_shared>> -> memref<10240x128xf32, #tpu.memory_space<vmem_shared>>
        tpu.wait_indirect_dma semaphore(%run_scoped3A : memref<!tpu.dma_semaphore, #tpu.memory_space<semaphore_mem>>) src(%arg9 : memref<128x128xf32, #tpu.memory_space<vmem>>) dst(%dma_wait3A_35 : memref<10240x128xf32, #tpu.memory_space<vmem_shared>>)
        tpu.yield
      }) : () -> ()
    }
    %scan3A_14 = arith.constant 79 : i32
    %barrier3A_15 = arith.constant 0 : index
    tpu.barrier barrier_id(%barrier3A_15)
    "tpu.region"() ({
      %run_scoped3A = tpu.sem_alloc : memref<!tpu.dma_semaphore, #tpu.memory_space<semaphore_mem>>
      %dma_start3A = arith.constant 0 : i32
      %dma_start3A_16 = arith.constant 0 : i32
      %dma_start3A_17 = tpu.memref_slice %arg6[%arg0, %dma_start3A, %dma_start3A_16] : memref<2x10240x128xf32, #tpu.memory_space<hbm>> -> memref<1x10240x128xf32, #tpu.memory_space<hbm>>
      %dma_start3A_18 = tpu.memref_squeeze %dma_start3A_17 : memref<1x10240x128xf32, #tpu.memory_space<hbm>> -> memref<10240x128xf32, #tpu.memory_space<hbm>>
      %dma_start3A_19 = arith.constant 0 : i32
      %dma_start3A_20 = tpu.memref_slice %dma_start3A_18[%mul3A_0, %dma_start3A_19] : memref<10240x128xf32, #tpu.memory_space<hbm>> -> memref<640x128xf32, #tpu.memory_space<hbm>>
      %dma_start3A_21 = arith.constant 0 : i32
      %dma_start3A_22 = tpu.memref_slice %arg10[%mul3A_0, %dma_start3A_21] : memref<10240x128xf32, #tpu.memory_space<vmem_shared>> -> memref<640x128xf32, #tpu.memory_space<vmem_shared>>
      tpu.enqueue_dma source(%dma_start3A_22 : memref<640x128xf32, #tpu.memory_space<vmem_shared>>) target(%dma_start3A_20 : memref<640x128xf32, #tpu.memory_space<hbm>>) target_semaphore(%run_scoped3A : memref<!tpu.dma_semaphore, #tpu.memory_space<semaphore_mem>>)
      %dma_wait3A = arith.constant 0 : i32
      %dma_wait3A_23 = arith.constant 0 : i32
      %dma_wait3A_24 = tpu.memref_slice %arg6[%arg0, %dma_wait3A, %dma_wait3A_23] : memref<2x10240x128xf32, #tpu.memory_space<hbm>> -> memref<1x10240x128xf32, #tpu.memory_space<hbm>>
      %dma_wait3A_25 = tpu.memref_squeeze %dma_wait3A_24 : memref<1x10240x128xf32, #tpu.memory_space<hbm>> -> memref<10240x128xf32, #tpu.memory_space<hbm>>
      %dma_wait3A_26 = arith.constant 0 : i32
      %dma_wait3A_27 = tpu.memref_slice %dma_wait3A_25[%mul3A_0, %dma_wait3A_26] : memref<10240x128xf32, #tpu.memory_space<hbm>> -> memref<640x128xf32, #tpu.memory_space<hbm>>
      %dma_wait3A_28 = arith.constant 0 : i32
      %dma_wait3A_29 = tpu.memref_slice %arg10[%mul3A_0, %dma_wait3A_28] : memref<10240x128xf32, #tpu.memory_space<vmem_shared>> -> memref<640x128xf32, #tpu.memory_space<vmem_shared>>
      tpu.wait_dma2 semaphore(%run_scoped3A : memref<!tpu.dma_semaphore, #tpu.memory_space<semaphore_mem>>) src(%dma_wait3A_29 : memref<640x128xf32, #tpu.memory_space<vmem_shared>>) dst(%dma_wait3A_27 : memref<640x128xf32, #tpu.memory_space<hbm>>)
      tpu.yield
    }) : () -> ()
    return
  }
}

#map = affine_map<(d0, d1) -> (0, 0)>
#map1 = affine_map<(d0, d1) -> (0, 0, 0)>
module attributes {stable_mosaic.version = 14 : i64} {
  func.func @k(%arg0: i32, %arg1: i32, %arg2: memref<10240x128xf32, #tpu.memory_space<hbm>>, %arg3: memref<10240x128xf32, #tpu.memory_space<hbm>>, %arg4: memref<16x79x128xi32, #tpu.memory_space<hbm>>, %arg5: memref<16x79x128xi32, #tpu.memory_space<hbm>>, %arg6: memref<2x10240x128xf32, #tpu.memory_space<hbm>>, %arg7: memref<79x128xi32, #tpu.memory_space<vmem>>, %arg8: memref<79x128xi32, #tpu.memory_space<vmem>>, %arg9: memref<128x128xf32, #tpu.memory_space<vmem>>, %arg10: memref<10240x128xf32, #tpu.memory_space<vmem_shared>>) attributes {dimension_semantics = [#tpu.dimension_semantics<core_parallel>, #tpu.dimension_semantics<subcore_parallel>], iteration_bounds = array<i64: 2, 16>, scalar_prefetch = 0 : i64, scratch_operands = 4 : i64, tpu.core_type = #tpu.core_type<sc_vector_subcore>, window_params = [{transform_indices = #map}, {transform_indices = #map}, {transform_indices = #map1}, {transform_indices = #map1}, {transform_indices = #map1}]} {
    %mul3A = arith.constant 640 : i32
    %mul3A_0 = arith.muli %arg1, %mul3A : i32
    %scan3A = arith.constant 0 : i32
    %scan3A_1 = arith.constant 128 : i32
    %scan3A_2 = arith.addi %scan3A, %scan3A_1 : i32
    %scan3A_3 = arith.constant 1 : i32
    scf.for %scan3A_16 = %scan3A to %scan3A_2 step %scan3A_3  : i32 {
      %mul3A_17 = arith.constant 1 : i32
      %mul3A_18 = arith.muli %scan3A_16, %mul3A_17 : i32
      %add3A = arith.constant 0 : i32
      %add3A_19 = arith.addi %add3A, %mul3A_18 : i32
      %scan3A_20 = arith.constant 0 : i32
      %scan3A_21 = arith.constant 8 : i32
      %scan3A_22 = arith.addi %scan3A_20, %scan3A_21 : i32
      %scan3A_23 = arith.constant 1 : i32
      scf.for %scan3A_25 = %scan3A_20 to %scan3A_22 step %scan3A_23  : i32 {
        %mul3A_26 = arith.constant 1 : i32
        %mul3A_27 = arith.muli %scan3A_25, %mul3A_26 : i32
        %add3A_28 = arith.constant 0 : i32
        %add3A_29 = arith.addi %add3A_28, %mul3A_27 : i32
        %broadcast_in_dim3A = arith.constant 0.000000e+00 : f32
        %broadcast_in_dim3A_30 = vector.broadcast %broadcast_in_dim3A : f32 to vector<16xf32>
        %mul3A_31 = arith.constant 16 : i32
        %mul3A_32 = arith.muli %add3A_29, %mul3A_31 : i32
        %swap3A = arith.index_cast %add3A_19 : i32 to index
        %swap3A_33 = arith.index_cast %mul3A_32 : i32 to index
        %swap3A_34 = tpu.vector_load %arg9[%swap3A, %swap3A_33] {strides = array<i32>} : memref<128x128xf32, #tpu.memory_space<vmem>>, vector<1x16xf32>,
        %swap3A_35 = vector.shape_cast %swap3A_34 : vector<1x16xf32> to vector<16xf32>
        %swap3A_36 = vector.shape_cast %broadcast_in_dim3A_30 : vector<16xf32> to vector<1x16xf32>
        tpu.vector_store %arg9[%swap3A, %swap3A_33], %swap3A_36 {strides = array<i32>} : memref<128x128xf32, #tpu.memory_space<vmem>>, vector<1x16xf32>,
      }
      %scan3A_24 = arith.constant 8 : i32
    }
    %scan3A_4 = arith.constant 128 : i32
    %scan3A_5 = arith.constant 0 : i32
    %scan3A_6 = arith.constant 5 : i32
    %scan3A_7 = arith.addi %scan3A_5, %scan3A_6 : i32
    %scan3A_8 = arith.constant 1 : i32
    scf.for %scan3A_16 = %scan3A_5 to %scan3A_7 step %scan3A_8  : i32 {
      %mul3A_17 = arith.constant 1 : i32
      %mul3A_18 = arith.muli %scan3A_16, %mul3A_17 : i32
      %add3A = arith.constant 0 : i32
      %add3A_19 = arith.addi %add3A, %mul3A_18 : i32
      %mul3A_20 = arith.constant 640 : i32
      %mul3A_21 = arith.muli %arg1, %mul3A_20 : i32
      %mul3A_22 = arith.constant 128 : i32
      %mul3A_23 = arith.muli %add3A_19, %mul3A_22 : i32
      %add3A_24 = arith.addi %mul3A_21, %mul3A_23 : i32
      "tpu.region"() ({
        %run_scoped3A = tpu.sem_alloc : memref<!tpu.dma_semaphore, #tpu.memory_space<semaphore_mem>>
        %dma_start3A = arith.constant 0 : i32
        %dma_start3A_25 = tpu.memref_slice %arg10[%add3A_24, %dma_start3A] : memref<10240x128xf32, #tpu.memory_space<vmem_shared>> -> memref<128x128xf32, #tpu.memory_space<vmem_shared>>
        %dma_start3A_26 = arith.constant 0 : i32
        %dma_start3A_27 = tpu.memref_slice %arg10[%add3A_24, %dma_start3A_26] : memref<10240x128xf32, #tpu.memory_space<vmem_shared>> -> memref<128x128xf32, #tpu.memory_space<vmem_shared>>
        tpu.enqueue_dma source(%arg9 : memref<128x128xf32, #tpu.memory_space<vmem>>) target(%dma_start3A_27 : memref<128x128xf32, #tpu.memory_space<vmem_shared>>) target_semaphore(%run_scoped3A : memref<!tpu.dma_semaphore, #tpu.memory_space<semaphore_mem>>)
        %dma_wait3A = arith.constant 0 : i32
        %dma_wait3A_28 = tpu.memref_slice %arg10[%add3A_24, %dma_wait3A] : memref<10240x128xf32, #tpu.memory_space<vmem_shared>> -> memref<128x128xf32, #tpu.memory_space<vmem_shared>>
        %dma_wait3A_29 = arith.constant 0 : i32
        %dma_wait3A_30 = tpu.memref_slice %arg10[%add3A_24, %dma_wait3A_29] : memref<10240x128xf32, #tpu.memory_space<vmem_shared>> -> memref<128x128xf32, #tpu.memory_space<vmem_shared>>
        tpu.wait_dma2 semaphore(%run_scoped3A : memref<!tpu.dma_semaphore, #tpu.memory_space<semaphore_mem>>) src(%arg9 : memref<128x128xf32, #tpu.memory_space<vmem>>) dst(%dma_wait3A_30 : memref<128x128xf32, #tpu.memory_space<vmem_shared>>)
        tpu.yield
      }) : () -> ()
    }
    %scan3A_9 = arith.constant 5 : i32
    "tpu.region"() ({
      %run_scoped3A = tpu.sem_alloc : memref<!tpu.dma_semaphore, #tpu.memory_space<semaphore_mem>>
      %dma_start3A = arith.constant 0 : i32
      %dma_start3A_16 = arith.constant 0 : i32
      %dma_start3A_17 = tpu.memref_slice %arg4[%arg1, %dma_start3A, %dma_start3A_16] : memref<16x79x128xi32, #tpu.memory_space<hbm>> -> memref<1x79x128xi32, #tpu.memory_space<hbm>>
      %dma_start3A_18 = tpu.memref_squeeze %dma_start3A_17 : memref<1x79x128xi32, #tpu.memory_space<hbm>> -> memref<79x128xi32, #tpu.memory_space<hbm>>
      %dma_start3A_19 = arith.constant 0 : i32
      %dma_start3A_20 = arith.constant 0 : i32
      %dma_start3A_21 = tpu.memref_slice %arg4[%arg1, %dma_start3A_19, %dma_start3A_20] : memref<16x79x128xi32, #tpu.memory_space<hbm>> -> memref<1x79x128xi32, #tpu.memory_space<hbm>>
      %dma_start3A_22 = tpu.memref_squeeze %dma_start3A_21 : memref<1x79x128xi32, #tpu.memory_space<hbm>> -> memref<79x128xi32, #tpu.memory_space<hbm>>
      tpu.enqueue_dma source(%dma_start3A_22 : memref<79x128xi32, #tpu.memory_space<hbm>>) target(%arg7 : memref<79x128xi32, #tpu.memory_space<vmem>>) target_semaphore(%run_scoped3A : memref<!tpu.dma_semaphore, #tpu.memory_space<semaphore_mem>>)
      %dma_wait3A = arith.constant 0 : i32
      %dma_wait3A_23 = arith.constant 0 : i32
      %dma_wait3A_24 = tpu.memref_slice %arg4[%arg1, %dma_wait3A, %dma_wait3A_23] : memref<16x79x128xi32, #tpu.memory_space<hbm>> -> memref<1x79x128xi32, #tpu.memory_space<hbm>>
      %dma_wait3A_25 = tpu.memref_squeeze %dma_wait3A_24 : memref<1x79x128xi32, #tpu.memory_space<hbm>> -> memref<79x128xi32, #tpu.memory_space<hbm>>
      %dma_wait3A_26 = arith.constant 0 : i32
      %dma_wait3A_27 = arith.constant 0 : i32
      %dma_wait3A_28 = tpu.memref_slice %arg4[%arg1, %dma_wait3A_26, %dma_wait3A_27] : memref<16x79x128xi32, #tpu.memory_space<hbm>> -> memref<1x79x128xi32, #tpu.memory_space<hbm>>
      %dma_wait3A_29 = tpu.memref_squeeze %dma_wait3A_28 : memref<1x79x128xi32, #tpu.memory_space<hbm>> -> memref<79x128xi32, #tpu.memory_space<hbm>>
      tpu.wait_dma2 semaphore(%run_scoped3A : memref<!tpu.dma_semaphore, #tpu.memory_space<semaphore_mem>>) src(%dma_wait3A_29 : memref<79x128xi32, #tpu.memory_space<hbm>>) dst(%arg7 : memref<79x128xi32, #tpu.memory_space<vmem>>)
      tpu.yield
    }) : () -> ()
    "tpu.region"() ({
      %run_scoped3A = tpu.sem_alloc : memref<!tpu.dma_semaphore, #tpu.memory_space<semaphore_mem>>
      %dma_start3A = arith.constant 0 : i32
      %dma_start3A_16 = arith.constant 0 : i32
      %dma_start3A_17 = tpu.memref_slice %arg5[%arg1, %dma_start3A, %dma_start3A_16] : memref<16x79x128xi32, #tpu.memory_space<hbm>> -> memref<1x79x128xi32, #tpu.memory_space<hbm>>
      %dma_start3A_18 = tpu.memref_squeeze %dma_start3A_17 : memref<1x79x128xi32, #tpu.memory_space<hbm>> -> memref<79x128xi32, #tpu.memory_space<hbm>>
      %dma_start3A_19 = arith.constant 0 : i32
      %dma_start3A_20 = arith.constant 0 : i32
      %dma_start3A_21 = tpu.memref_slice %arg5[%arg1, %dma_start3A_19, %dma_start3A_20] : memref<16x79x128xi32, #tpu.memory_space<hbm>> -> memref<1x79x128xi32, #tpu.memory_space<hbm>>
      %dma_start3A_22 = tpu.memref_squeeze %dma_start3A_21 : memref<1x79x128xi32, #tpu.memory_space<hbm>> -> memref<79x128xi32, #tpu.memory_space<hbm>>
      tpu.enqueue_dma source(%dma_start3A_22 : memref<79x128xi32, #tpu.memory_space<hbm>>) target(%arg8 : memref<79x128xi32, #tpu.memory_space<vmem>>) target_semaphore(%run_scoped3A : memref<!tpu.dma_semaphore, #tpu.memory_space<semaphore_mem>>)
      %dma_wait3A = arith.constant 0 : i32
      %dma_wait3A_23 = arith.constant 0 : i32
      %dma_wait3A_24 = tpu.memref_slice %arg5[%arg1, %dma_wait3A, %dma_wait3A_23] : memref<16x79x128xi32, #tpu.memory_space<hbm>> -> memref<1x79x128xi32, #tpu.memory_space<hbm>>
      %dma_wait3A_25 = tpu.memref_squeeze %dma_wait3A_24 : memref<1x79x128xi32, #tpu.memory_space<hbm>> -> memref<79x128xi32, #tpu.memory_space<hbm>>
      %dma_wait3A_26 = arith.constant 0 : i32
      %dma_wait3A_27 = arith.constant 0 : i32
      %dma_wait3A_28 = tpu.memref_slice %arg5[%arg1, %dma_wait3A_26, %dma_wait3A_27] : memref<16x79x128xi32, #tpu.memory_space<hbm>> -> memref<1x79x128xi32, #tpu.memory_space<hbm>>
      %dma_wait3A_29 = tpu.memref_squeeze %dma_wait3A_28 : memref<1x79x128xi32, #tpu.memory_space<hbm>> -> memref<79x128xi32, #tpu.memory_space<hbm>>
      tpu.wait_dma2 semaphore(%run_scoped3A : memref<!tpu.dma_semaphore, #tpu.memory_space<semaphore_mem>>) src(%dma_wait3A_29 : memref<79x128xi32, #tpu.memory_space<hbm>>) dst(%arg8 : memref<79x128xi32, #tpu.memory_space<vmem>>)
      tpu.yield
    }) : () -> ()
    %barrier3A = arith.constant 0 : index
    tpu.barrier barrier_id(%barrier3A)
    %scan3A_10 = arith.constant 0 : i32
    %scan3A_11 = arith.constant 79 : i32
    %scan3A_12 = arith.addi %scan3A_10, %scan3A_11 : i32
    %scan3A_13 = arith.constant 1 : i32
    scf.for %scan3A_16 = %scan3A_10 to %scan3A_12 step %scan3A_13  : i32 {
      %mul3A_17 = arith.constant 1 : i32
      %mul3A_18 = arith.muli %scan3A_16, %mul3A_17 : i32
      %add3A = arith.constant 0 : i32
      %add3A_19 = arith.addi %add3A, %mul3A_18 : i32
      %eq3A = arith.constant 0 : i32
      %eq3A_20 = arith.cmpi eq, %arg0, %eq3A : i32
      %convert_element_type3A = arith.extui %eq3A_20 : i1 to i32
      %cond3A = arith.constant 0 : i32
      %cond3A_21 = arith.cmpi ne, %convert_element_type3A, %cond3A : i32
      scf.if %cond3A_21 {
        "tpu.region"() ({
          %run_scoped3A = tpu.sem_alloc : memref<!tpu.dma_semaphore, #tpu.memory_space<semaphore_mem>>
          %dma_start3A = arith.constant 0 : i32
          %dma_start3A_26 = tpu.memref_slice %arg7[%add3A_19, %dma_start3A] : memref<79x128xi32, #tpu.memory_space<vmem>> -> memref<1x128xi32, #tpu.memory_space<vmem>>
          %dma_start3A_27 = tpu.memref_squeeze %dma_start3A_26 : memref<1x128xi32, #tpu.memory_space<vmem>> -> memref<128xi32, #tpu.memory_space<vmem>>
          %dma_start3A_28 = arith.constant 0 : i32
          %dma_start3A_29 = arith.constant 0 : i32
          %dma_start3A_30 = tpu.memref_slice %arg2[%dma_start3A_28, %dma_start3A_29] : memref<10240x128xf32, #tpu.memory_space<hbm>> -> memref<10240x128xf32, #tpu.memory_space<hbm>>
          tpu.enqueue_indirect_dma source(%dma_start3A_30 : memref<10240x128xf32, #tpu.memory_space<hbm>>) target(%arg9 : memref<128x128xf32, #tpu.memory_space<vmem>>) offsets(%dma_start3A_27 : memref<128xi32, #tpu.memory_space<vmem>>) semaphore(%run_scoped3A : memref<!tpu.dma_semaphore, #tpu.memory_space<semaphore_mem>>)
          %dma_wait3A = arith.constant 0 : i32
          %dma_wait3A_31 = tpu.memref_slice %arg7[%add3A_19, %dma_wait3A] : memref<79x128xi32, #tpu.memory_space<vmem>> -> memref<1x128xi32, #tpu.memory_space<vmem>>
          %dma_wait3A_32 = tpu.memref_squeeze %dma_wait3A_31 : memref<1x128xi32, #tpu.memory_space<vmem>> -> memref<128xi32, #tpu.memory_space<vmem>>
          %dma_wait3A_33 = arith.constant 0 : i32
          %dma_wait3A_34 = arith.constant 0 : i32
          %dma_wait3A_35 = tpu.memref_slice %arg2[%dma_wait3A_33, %dma_wait3A_34] : memref<10240x128xf32, #tpu.memory_space<hbm>> -> memref<10240x128xf32, #tpu.memory_space<hbm>>
          tpu.wait_indirect_dma semaphore(%run_scoped3A : memref<!tpu.dma_semaphore, #tpu.memory_space<semaphore_mem>>) src(%dma_wait3A_35 : memref<10240x128xf32, #tpu.memory_space<hbm>>) dst(%arg9 : memref<128x128xf32, #tpu.memory_space<vmem>>)
          tpu.yield
        }) : () -> ()
      } else {
      }
      %ne3A = arith.constant 0 : i32
      %ne3A_22 = arith.cmpi ne, %arg0, %ne3A : i32
      %convert_element_type3A_23 = arith.extui %ne3A_22 : i1 to i32
      %cond3A_24 = arith.constant 0 : i32
      %cond3A_25 = arith.cmpi ne, %convert_element_type3A_23, %cond3A_24 : i32
      scf.if %cond3A_25 {
        "tpu.region"() ({
          %run_scoped3A = tpu.sem_alloc : memref<!tpu.dma_semaphore, #tpu.memory_space<semaphore_mem>>
          %dma_start3A = arith.constant 0 : i32
          %dma_start3A_26 = tpu.memref_slice %arg7[%add3A_19, %dma_start3A] : memref<79x128xi32, #tpu.memory_space<vmem>> -> memref<1x128xi32, #tpu.memory_space<vmem>>
          %dma_start3A_27 = tpu.memref_squeeze %dma_start3A_26 : memref<1x128xi32, #tpu.memory_space<vmem>> -> memref<128xi32, #tpu.memory_space<vmem>>
          %dma_start3A_28 = arith.constant 0 : i32
          %dma_start3A_29 = arith.constant 0 : i32
          %dma_start3A_30 = tpu.memref_slice %arg3[%dma_start3A_28, %dma_start3A_29] : memref<10240x128xf32, #tpu.memory_space<hbm>> -> memref<10240x128xf32, #tpu.memory_space<hbm>>
          tpu.enqueue_indirect_dma source(%dma_start3A_30 : memref<10240x128xf32, #tpu.memory_space<hbm>>) target(%arg9 : memref<128x128xf32, #tpu.memory_space<vmem>>) offsets(%dma_start3A_27 : memref<128xi32, #tpu.memory_space<vmem>>) semaphore(%run_scoped3A : memref<!tpu.dma_semaphore, #tpu.memory_space<semaphore_mem>>)
          %dma_wait3A = arith.constant 0 : i32
          %dma_wait3A_31 = tpu.memref_slice %arg7[%add3A_19, %dma_wait3A] : memref<79x128xi32, #tpu.memory_space<vmem>> -> memref<1x128xi32, #tpu.memory_space<vmem>>
          %dma_wait3A_32 = tpu.memref_squeeze %dma_wait3A_31 : memref<1x128xi32, #tpu.memory_space<vmem>> -> memref<128xi32, #tpu.memory_space<vmem>>
          %dma_wait3A_33 = arith.constant 0 : i32
          %dma_wait3A_34 = arith.constant 0 : i32
          %dma_wait3A_35 = tpu.memref_slice %arg3[%dma_wait3A_33, %dma_wait3A_34] : memref<10240x128xf32, #tpu.memory_space<hbm>> -> memref<10240x128xf32, #tpu.memory_space<hbm>>
          tpu.wait_indirect_dma semaphore(%run_scoped3A : memref<!tpu.dma_semaphore, #tpu.memory_space<semaphore_mem>>) src(%dma_wait3A_35 : memref<10240x128xf32, #tpu.memory_space<hbm>>) dst(%arg9 : memref<128x128xf32, #tpu.memory_space<vmem>>)
          tpu.yield
        }) : () -> ()
      } else {
      }
      "tpu.region"() ({
        %run_scoped3A = tpu.sem_alloc : memref<!tpu.dma_semaphore, #tpu.memory_space<semaphore_mem>>
        %dma_start3A = arith.constant 0 : i32
        %dma_start3A_26 = tpu.memref_slice %arg8[%add3A_19, %dma_start3A] : memref<79x128xi32, #tpu.memory_space<vmem>> -> memref<1x128xi32, #tpu.memory_space<vmem>>
        %dma_start3A_27 = tpu.memref_squeeze %dma_start3A_26 : memref<1x128xi32, #tpu.memory_space<vmem>> -> memref<128xi32, #tpu.memory_space<vmem>>
        %dma_start3A_28 = arith.constant 0 : i32
        %dma_start3A_29 = arith.constant 0 : i32
        %dma_start3A_30 = tpu.memref_slice %arg10[%dma_start3A_28, %dma_start3A_29] : memref<10240x128xf32, #tpu.memory_space<vmem_shared>> -> memref<10240x128xf32, #tpu.memory_space<vmem_shared>>
        tpu.enqueue_indirect_dma source(%arg9 : memref<128x128xf32, #tpu.memory_space<vmem>>) target(%dma_start3A_30 : memref<10240x128xf32, #tpu.memory_space<vmem_shared>>) offsets(%dma_start3A_27 : memref<128xi32, #tpu.memory_space<vmem>>) semaphore(%run_scoped3A : memref<!tpu.dma_semaphore, #tpu.memory_space<semaphore_mem>>) {add = true}
        %dma_wait3A = arith.constant 0 : i32
        %dma_wait3A_31 = tpu.memref_slice %arg8[%add3A_19, %dma_wait3A] : memref<79x128xi32, #tpu.memory_space<vmem>> -> memref<1x128xi32, #tpu.memory_space<vmem>>
        %dma_wait3A_32 = tpu.memref_squeeze %dma_wait3A_31 : memref<1x128xi32, #tpu.memory_space<vmem>> -> memref<128xi32, #tpu.memory_space<vmem>>
        %dma_wait3A_33 = arith.constant 0 : i32
        %dma_wait3A_34 = arith.constant 0 : i32
        %dma_wait3A_35 = tpu.memref_slice %arg10[%dma_wait3A_33, %dma_wait3A_34] : memref<10240x128xf32, #tpu.memory_space<vmem_shared>> -> memref<10240x128xf32, #tpu.memory_space<vmem_shared>>
        tpu.wait_indirect_dma semaphore(%run_scoped3A : memref<!tpu.dma_semaphore, #tpu.memory_space<semaphore_mem>>) src(%arg9 : memref<128x128xf32, #tpu.memory_space<vmem>>) dst(%dma_wait3A_35 : memref<10240x128xf32, #tpu.memory_space<vmem_shared>>)
        tpu.yield
      }) : () -> ()
    }
    %scan3A_14 = arith.constant 79 : i32
    %barrier3A_15 = arith.constant 0 : index
    tpu.barrier barrier_id(%barrier3A_15)
    "tpu.region"() ({
      %run_scoped3A = tpu.sem_alloc : memref<!tpu.dma_semaphore, #tpu.memory_space<semaphore_mem>>
      %dma_start3A = arith.constant 0 : i32
      %dma_start3A_16 = arith.constant 0 : i32
      %dma_start3A_17 = tpu.memref_slice %arg6[%arg0, %dma_start3A, %dma_start3A_16] : memref<2x10240x128xf32, #tpu.memory_space<hbm>> -> memref<1x10240x128xf32, #tpu.memory_space<hbm>>
      %dma_start3A_18 = tpu.memref_squeeze %dma_start3A_17 : memref<1x10240x128xf32, #tpu.memory_space<hbm>> -> memref<10240x128xf32, #tpu.memory_space<hbm>>
      %dma_start3A_19 = arith.constant 0 : i32
      %dma_start3A_20 = tpu.memref_slice %dma_start3A_18[%mul3A_0, %dma_start3A_19] : memref<10240x128xf32, #tpu.memory_space<hbm>> -> memref<640x128xf32, #tpu.memory_space<hbm>>
      %dma_start3A_21 = arith.constant 0 : i32
      %dma_start3A_22 = tpu.memref_slice %arg10[%mul3A_0, %dma_start3A_21] : memref<10240x128xf32, #tpu.memory_space<vmem_shared>> -> memref<640x128xf32, #tpu.memory_space<vmem_shared>>
      tpu.enqueue_dma source(%dma_start3A_22 : memref<640x128xf32, #tpu.memory_space<vmem_shared>>) target(%dma_start3A_20 : memref<640x128xf32, #tpu.memory_space<hbm>>) target_semaphore(%run_scoped3A : memref<!tpu.dma_semaphore, #tpu.memory_space<semaphore_mem>>)
      %dma_wait3A = arith.constant 0 : i32
      %dma_wait3A_23 = arith.constant 0 : i32
      %dma_wait3A_24 = tpu.memref_slice %arg6[%arg0, %dma_wait3A, %dma_wait3A_23] : memref<2x10240x128xf32, #tpu.memory_space<hbm>> -> memref<1x10240x128xf32, #tpu.memory_space<hbm>>
      %dma_wait3A_25 = tpu.memref_squeeze %dma_wait3A_24 : memref<1x10240x128xf32, #tpu.memory_space<hbm>> -> memref<10240x128xf32, #tpu.memory_space<hbm>>
      %dma_wait3A_26 = arith.constant 0 : i32
      %dma_wait3A_27 = tpu.memref_slice %dma_wait3A_25[%mul3A_0, %dma_wait3A_26] : memref<10240x128xf32, #tpu.memory_space<hbm>> -> memref<640x128xf32, #tpu.memory_space<hbm>>
      %dma_wait3A_28 = arith.constant 0 : i32
      %dma_wait3A_29 = tpu.memref_slice %arg10[%mul3A_0, %dma_wait3A_28] : memref<10240x128xf32, #tpu.memory_space<vmem_shared>> -> memref<640x128xf32, #tpu.memory_space<vmem_shared>>
      tpu.wait_dma2 semaphore(%run_scoped3A : memref<!tpu.dma_semaphore, #tpu.memory_space<semaphore_mem>>) src(%dma_wait3A_29 : memref<640x128xf32, #tpu.memory_space<vmem_shared>>) dst(%dma_wait3A_27 : memref<640x128xf32, #tpu.memory_space<hbm>>)
      tpu.yield
    }) : () -> ()
    return
  }
}

#map = affine_map<(d0, d1) -> (0, 0)>
#map1 = affine_map<(d0, d1) -> (0, 0, 0, 0)>
#map2 = affine_map<(d0, d1) -> (0, 0, 0)>
module attributes {stable_mosaic.version = 14 : i64} {
  func.func @k(%arg0: i32, %arg1: i32, %arg2: memref<10240x128xf32, #tpu.memory_space<hbm>>, %arg3: memref<2x16x79x128xi32, #tpu.memory_space<hbm>>, %arg4: memref<2x16x79x128xi32, #tpu.memory_space<hbm>>, %arg5: memref<2x10240x128xf32, #tpu.memory_space<hbm>>, %arg6: memref<79x128xi32, #tpu.memory_space<vmem>>, %arg7: memref<79x128xi32, #tpu.memory_space<vmem>>, %arg8: memref<128x128xf32, #tpu.memory_space<vmem>>, %arg9: memref<10240x128xf32, #tpu.memory_space<vmem_shared>>) attributes {dimension_semantics = [#tpu.dimension_semantics<core_parallel>, #tpu.dimension_semantics<subcore_parallel>], iteration_bounds = array<i64: 2, 16>, scalar_prefetch = 0 : i64, scratch_operands = 4 : i64, tpu.core_type = #tpu.core_type<sc_vector_subcore>, window_params = [{transform_indices = #map}, {transform_indices = #map1}, {transform_indices = #map1}, {transform_indices = #map2}]} {
    %mul3A = arith.constant 640 : i32
    %mul3A_0 = arith.muli %arg1, %mul3A : i32
    %scan3A = arith.constant 0 : i32
    %scan3A_1 = arith.constant 128 : i32
    %scan3A_2 = arith.addi %scan3A, %scan3A_1 : i32
    %scan3A_3 = arith.constant 1 : i32
    scf.for %scan3A_16 = %scan3A to %scan3A_2 step %scan3A_3  : i32 {
      %mul3A_17 = arith.constant 1 : i32
      %mul3A_18 = arith.muli %scan3A_16, %mul3A_17 : i32
      %add3A = arith.constant 0 : i32
      %add3A_19 = arith.addi %add3A, %mul3A_18 : i32
      %scan3A_20 = arith.constant 0 : i32
      %scan3A_21 = arith.constant 8 : i32
      %scan3A_22 = arith.addi %scan3A_20, %scan3A_21 : i32
      %scan3A_23 = arith.constant 1 : i32
      scf.for %scan3A_25 = %scan3A_20 to %scan3A_22 step %scan3A_23  : i32 {
        %mul3A_26 = arith.constant 1 : i32
        %mul3A_27 = arith.muli %scan3A_25, %mul3A_26 : i32
        %add3A_28 = arith.constant 0 : i32
        %add3A_29 = arith.addi %add3A_28, %mul3A_27 : i32
        %broadcast_in_dim3A = arith.constant 0.000000e+00 : f32
        %broadcast_in_dim3A_30 = vector.broadcast %broadcast_in_dim3A : f32 to vector<16xf32>
        %mul3A_31 = arith.constant 16 : i32
        %mul3A_32 = arith.muli %add3A_29, %mul3A_31 : i32
        %swap3A = arith.index_cast %add3A_19 : i32 to index
        %swap3A_33 = arith.index_cast %mul3A_32 : i32 to index
        %swap3A_34 = tpu.vector_load %arg8[%swap3A, %swap3A_33] {strides = array<i32>} : memref<128x128xf32, #tpu.memory_space<vmem>>, vector<1x16xf32>,
        %swap3A_35 = vector.shape_cast %swap3A_34 : vector<1x16xf32> to vector<16xf32>
        %swap3A_36 = vector.shape_cast %broadcast_in_dim3A_30 : vector<16xf32> to vector<1x16xf32>
        tpu.vector_store %arg8[%swap3A, %swap3A_33], %swap3A_36 {strides = array<i32>} : memref<128x128xf32, #tpu.memory_space<vmem>>, vector<1x16xf32>,
      }
      %scan3A_24 = arith.constant 8 : i32
    }
    %scan3A_4 = arith.constant 128 : i32
    %scan3A_5 = arith.constant 0 : i32
    %scan3A_6 = arith.constant 5 : i32
    %scan3A_7 = arith.addi %scan3A_5, %scan3A_6 : i32
    %scan3A_8 = arith.constant 1 : i32
    scf.for %scan3A_16 = %scan3A_5 to %scan3A_7 step %scan3A_8  : i32 {
      %mul3A_17 = arith.constant 1 : i32
      %mul3A_18 = arith.muli %scan3A_16, %mul3A_17 : i32
      %add3A = arith.constant 0 : i32
      %add3A_19 = arith.addi %add3A, %mul3A_18 : i32
      %mul3A_20 = arith.constant 128 : i32
      %mul3A_21 = arith.muli %add3A_19, %mul3A_20 : i32
      %add3A_22 = arith.addi %mul3A_0, %mul3A_21 : i32
      "tpu.region"() ({
        %run_scoped3A = tpu.sem_alloc : memref<!tpu.dma_semaphore, #tpu.memory_space<semaphore_mem>>
        %dma_start3A = arith.constant 0 : i32
        %dma_start3A_23 = tpu.memref_slice %arg9[%add3A_22, %dma_start3A] : memref<10240x128xf32, #tpu.memory_space<vmem_shared>> -> memref<128x128xf32, #tpu.memory_space<vmem_shared>>
        %dma_start3A_24 = arith.constant 0 : i32
        %dma_start3A_25 = tpu.memref_slice %arg9[%add3A_22, %dma_start3A_24] : memref<10240x128xf32, #tpu.memory_space<vmem_shared>> -> memref<128x128xf32, #tpu.memory_space<vmem_shared>>
        tpu.enqueue_dma source(%arg8 : memref<128x128xf32, #tpu.memory_space<vmem>>) target(%dma_start3A_25 : memref<128x128xf32, #tpu.memory_space<vmem_shared>>) target_semaphore(%run_scoped3A : memref<!tpu.dma_semaphore, #tpu.memory_space<semaphore_mem>>)
        %dma_wait3A = arith.constant 0 : i32
        %dma_wait3A_26 = tpu.memref_slice %arg9[%add3A_22, %dma_wait3A] : memref<10240x128xf32, #tpu.memory_space<vmem_shared>> -> memref<128x128xf32, #tpu.memory_space<vmem_shared>>
        %dma_wait3A_27 = arith.constant 0 : i32
        %dma_wait3A_28 = tpu.memref_slice %arg9[%add3A_22, %dma_wait3A_27] : memref<10240x128xf32, #tpu.memory_space<vmem_shared>> -> memref<128x128xf32, #tpu.memory_space<vmem_shared>>
        tpu.wait_dma2 semaphore(%run_scoped3A : memref<!tpu.dma_semaphore, #tpu.memory_space<semaphore_mem>>) src(%arg8 : memref<128x128xf32, #tpu.memory_space<vmem>>) dst(%dma_wait3A_28 : memref<128x128xf32, #tpu.memory_space<vmem_shared>>)
        tpu.yield
      }) : () -> ()
    }
    %scan3A_9 = arith.constant 5 : i32
    "tpu.region"() ({
      %run_scoped3A = tpu.sem_alloc : memref<!tpu.dma_semaphore, #tpu.memory_space<semaphore_mem>>
      %dma_start3A = arith.constant 0 : i32
      %dma_start3A_16 = arith.constant 0 : i32
      %dma_start3A_17 = arith.constant 0 : i32
      %dma_start3A_18 = tpu.memref_slice %arg3[%arg0, %dma_start3A, %dma_start3A_16, %dma_start3A_17] : memref<2x16x79x128xi32, #tpu.memory_space<hbm>> -> memref<1x16x79x128xi32, #tpu.memory_space<hbm>>
      %dma_start3A_19 = tpu.memref_squeeze %dma_start3A_18 : memref<1x16x79x128xi32, #tpu.memory_space<hbm>> -> memref<16x79x128xi32, #tpu.memory_space<hbm>>
      %dma_start3A_20 = arith.constant 0 : i32
      %dma_start3A_21 = arith.constant 0 : i32
      %dma_start3A_22 = tpu.memref_slice %dma_start3A_19[%arg1, %dma_start3A_20, %dma_start3A_21] : memref<16x79x128xi32, #tpu.memory_space<hbm>> -> memref<1x79x128xi32, #tpu.memory_space<hbm>>
      %dma_start3A_23 = tpu.memref_squeeze %dma_start3A_22 : memref<1x79x128xi32, #tpu.memory_space<hbm>> -> memref<79x128xi32, #tpu.memory_space<hbm>>
      %dma_start3A_24 = arith.constant 0 : i32
      %dma_start3A_25 = arith.constant 0 : i32
      %dma_start3A_26 = arith.constant 0 : i32
      %dma_start3A_27 = tpu.memref_slice %arg3[%arg0, %dma_start3A_24, %dma_start3A_25, %dma_start3A_26] : memref<2x16x79x128xi32, #tpu.memory_space<hbm>> -> memref<1x16x79x128xi32, #tpu.memory_space<hbm>>
      %dma_start3A_28 = tpu.memref_squeeze %dma_start3A_27 : memref<1x16x79x128xi32, #tpu.memory_space<hbm>> -> memref<16x79x128xi32, #tpu.memory_space<hbm>>
      %dma_start3A_29 = arith.constant 0 : i32
      %dma_start3A_30 = arith.constant 0 : i32
      %dma_start3A_31 = tpu.memref_slice %dma_start3A_28[%arg1, %dma_start3A_29, %dma_start3A_30] : memref<16x79x128xi32, #tpu.memory_space<hbm>> -> memref<1x79x128xi32, #tpu.memory_space<hbm>>
      %dma_start3A_32 = tpu.memref_squeeze %dma_start3A_31 : memref<1x79x128xi32, #tpu.memory_space<hbm>> -> memref<79x128xi32, #tpu.memory_space<hbm>>
      tpu.enqueue_dma source(%dma_start3A_32 : memref<79x128xi32, #tpu.memory_space<hbm>>) target(%arg6 : memref<79x128xi32, #tpu.memory_space<vmem>>) target_semaphore(%run_scoped3A : memref<!tpu.dma_semaphore, #tpu.memory_space<semaphore_mem>>)
      %dma_wait3A = arith.constant 0 : i32
      %dma_wait3A_33 = arith.constant 0 : i32
      %dma_wait3A_34 = arith.constant 0 : i32
      %dma_wait3A_35 = tpu.memref_slice %arg3[%arg0, %dma_wait3A, %dma_wait3A_33, %dma_wait3A_34] : memref<2x16x79x128xi32, #tpu.memory_space<hbm>> -> memref<1x16x79x128xi32, #tpu.memory_space<hbm>>
      %dma_wait3A_36 = tpu.memref_squeeze %dma_wait3A_35 : memref<1x16x79x128xi32, #tpu.memory_space<hbm>> -> memref<16x79x128xi32, #tpu.memory_space<hbm>>
      %dma_wait3A_37 = arith.constant 0 : i32
      %dma_wait3A_38 = arith.constant 0 : i32
      %dma_wait3A_39 = tpu.memref_slice %dma_wait3A_36[%arg1, %dma_wait3A_37, %dma_wait3A_38] : memref<16x79x128xi32, #tpu.memory_space<hbm>> -> memref<1x79x128xi32, #tpu.memory_space<hbm>>
      %dma_wait3A_40 = tpu.memref_squeeze %dma_wait3A_39 : memref<1x79x128xi32, #tpu.memory_space<hbm>> -> memref<79x128xi32, #tpu.memory_space<hbm>>
      %dma_wait3A_41 = arith.constant 0 : i32
      %dma_wait3A_42 = arith.constant 0 : i32
      %dma_wait3A_43 = arith.constant 0 : i32
      %dma_wait3A_44 = tpu.memref_slice %arg3[%arg0, %dma_wait3A_41, %dma_wait3A_42, %dma_wait3A_43] : memref<2x16x79x128xi32, #tpu.memory_space<hbm>> -> memref<1x16x79x128xi32, #tpu.memory_space<hbm>>
      %dma_wait3A_45 = tpu.memref_squeeze %dma_wait3A_44 : memref<1x16x79x128xi32, #tpu.memory_space<hbm>> -> memref<16x79x128xi32, #tpu.memory_space<hbm>>
      %dma_wait3A_46 = arith.constant 0 : i32
      %dma_wait3A_47 = arith.constant 0 : i32
      %dma_wait3A_48 = tpu.memref_slice %dma_wait3A_45[%arg1, %dma_wait3A_46, %dma_wait3A_47] : memref<16x79x128xi32, #tpu.memory_space<hbm>> -> memref<1x79x128xi32, #tpu.memory_space<hbm>>
      %dma_wait3A_49 = tpu.memref_squeeze %dma_wait3A_48 : memref<1x79x128xi32, #tpu.memory_space<hbm>> -> memref<79x128xi32, #tpu.memory_space<hbm>>
      tpu.wait_dma2 semaphore(%run_scoped3A : memref<!tpu.dma_semaphore, #tpu.memory_space<semaphore_mem>>) src(%dma_wait3A_49 : memref<79x128xi32, #tpu.memory_space<hbm>>) dst(%arg6 : memref<79x128xi32, #tpu.memory_space<vmem>>)
      tpu.yield
    }) : () -> ()
    "tpu.region"() ({
      %run_scoped3A = tpu.sem_alloc : memref<!tpu.dma_semaphore, #tpu.memory_space<semaphore_mem>>
      %dma_start3A = arith.constant 0 : i32
      %dma_start3A_16 = arith.constant 0 : i32
      %dma_start3A_17 = arith.constant 0 : i32
      %dma_start3A_18 = tpu.memref_slice %arg4[%arg0, %dma_start3A, %dma_start3A_16, %dma_start3A_17] : memref<2x16x79x128xi32, #tpu.memory_space<hbm>> -> memref<1x16x79x128xi32, #tpu.memory_space<hbm>>
      %dma_start3A_19 = tpu.memref_squeeze %dma_start3A_18 : memref<1x16x79x128xi32, #tpu.memory_space<hbm>> -> memref<16x79x128xi32, #tpu.memory_space<hbm>>
      %dma_start3A_20 = arith.constant 0 : i32
      %dma_start3A_21 = arith.constant 0 : i32
      %dma_start3A_22 = tpu.memref_slice %dma_start3A_19[%arg1, %dma_start3A_20, %dma_start3A_21] : memref<16x79x128xi32, #tpu.memory_space<hbm>> -> memref<1x79x128xi32, #tpu.memory_space<hbm>>
      %dma_start3A_23 = tpu.memref_squeeze %dma_start3A_22 : memref<1x79x128xi32, #tpu.memory_space<hbm>> -> memref<79x128xi32, #tpu.memory_space<hbm>>
      %dma_start3A_24 = arith.constant 0 : i32
      %dma_start3A_25 = arith.constant 0 : i32
      %dma_start3A_26 = arith.constant 0 : i32
      %dma_start3A_27 = tpu.memref_slice %arg4[%arg0, %dma_start3A_24, %dma_start3A_25, %dma_start3A_26] : memref<2x16x79x128xi32, #tpu.memory_space<hbm>> -> memref<1x16x79x128xi32, #tpu.memory_space<hbm>>
      %dma_start3A_28 = tpu.memref_squeeze %dma_start3A_27 : memref<1x16x79x128xi32, #tpu.memory_space<hbm>> -> memref<16x79x128xi32, #tpu.memory_space<hbm>>
      %dma_start3A_29 = arith.constant 0 : i32
      %dma_start3A_30 = arith.constant 0 : i32
      %dma_start3A_31 = tpu.memref_slice %dma_start3A_28[%arg1, %dma_start3A_29, %dma_start3A_30] : memref<16x79x128xi32, #tpu.memory_space<hbm>> -> memref<1x79x128xi32, #tpu.memory_space<hbm>>
      %dma_start3A_32 = tpu.memref_squeeze %dma_start3A_31 : memref<1x79x128xi32, #tpu.memory_space<hbm>> -> memref<79x128xi32, #tpu.memory_space<hbm>>
      tpu.enqueue_dma source(%dma_start3A_32 : memref<79x128xi32, #tpu.memory_space<hbm>>) target(%arg7 : memref<79x128xi32, #tpu.memory_space<vmem>>) target_semaphore(%run_scoped3A : memref<!tpu.dma_semaphore, #tpu.memory_space<semaphore_mem>>)
      %dma_wait3A = arith.constant 0 : i32
      %dma_wait3A_33 = arith.constant 0 : i32
      %dma_wait3A_34 = arith.constant 0 : i32
      %dma_wait3A_35 = tpu.memref_slice %arg4[%arg0, %dma_wait3A, %dma_wait3A_33, %dma_wait3A_34] : memref<2x16x79x128xi32, #tpu.memory_space<hbm>> -> memref<1x16x79x128xi32, #tpu.memory_space<hbm>>
      %dma_wait3A_36 = tpu.memref_squeeze %dma_wait3A_35 : memref<1x16x79x128xi32, #tpu.memory_space<hbm>> -> memref<16x79x128xi32, #tpu.memory_space<hbm>>
      %dma_wait3A_37 = arith.constant 0 : i32
      %dma_wait3A_38 = arith.constant 0 : i32
      %dma_wait3A_39 = tpu.memref_slice %dma_wait3A_36[%arg1, %dma_wait3A_37, %dma_wait3A_38] : memref<16x79x128xi32, #tpu.memory_space<hbm>> -> memref<1x79x128xi32, #tpu.memory_space<hbm>>
      %dma_wait3A_40 = tpu.memref_squeeze %dma_wait3A_39 : memref<1x79x128xi32, #tpu.memory_space<hbm>> -> memref<79x128xi32, #tpu.memory_space<hbm>>
      %dma_wait3A_41 = arith.constant 0 : i32
      %dma_wait3A_42 = arith.constant 0 : i32
      %dma_wait3A_43 = arith.constant 0 : i32
      %dma_wait3A_44 = tpu.memref_slice %arg4[%arg0, %dma_wait3A_41, %dma_wait3A_42, %dma_wait3A_43] : memref<2x16x79x128xi32, #tpu.memory_space<hbm>> -> memref<1x16x79x128xi32, #tpu.memory_space<hbm>>
      %dma_wait3A_45 = tpu.memref_squeeze %dma_wait3A_44 : memref<1x16x79x128xi32, #tpu.memory_space<hbm>> -> memref<16x79x128xi32, #tpu.memory_space<hbm>>
      %dma_wait3A_46 = arith.constant 0 : i32
      %dma_wait3A_47 = arith.constant 0 : i32
      %dma_wait3A_48 = tpu.memref_slice %dma_wait3A_45[%arg1, %dma_wait3A_46, %dma_wait3A_47] : memref<16x79x128xi32, #tpu.memory_space<hbm>> -> memref<1x79x128xi32, #tpu.memory_space<hbm>>
      %dma_wait3A_49 = tpu.memref_squeeze %dma_wait3A_48 : memref<1x79x128xi32, #tpu.memory_space<hbm>> -> memref<79x128xi32, #tpu.memory_space<hbm>>
      tpu.wait_dma2 semaphore(%run_scoped3A : memref<!tpu.dma_semaphore, #tpu.memory_space<semaphore_mem>>) src(%dma_wait3A_49 : memref<79x128xi32, #tpu.memory_space<hbm>>) dst(%arg7 : memref<79x128xi32, #tpu.memory_space<vmem>>)
      tpu.yield
    }) : () -> ()
    %barrier3A = arith.constant 0 : index
    tpu.barrier barrier_id(%barrier3A)
    %scan3A_10 = arith.constant 0 : i32
    %scan3A_11 = arith.constant 79 : i32
    %scan3A_12 = arith.addi %scan3A_10, %scan3A_11 : i32
    %scan3A_13 = arith.constant 1 : i32
    scf.for %scan3A_16 = %scan3A_10 to %scan3A_12 step %scan3A_13  : i32 {
      %mul3A_17 = arith.constant 1 : i32
      %mul3A_18 = arith.muli %scan3A_16, %mul3A_17 : i32
      %add3A = arith.constant 0 : i32
      %add3A_19 = arith.addi %add3A, %mul3A_18 : i32
      "tpu.region"() ({
        %run_scoped3A = tpu.sem_alloc : memref<!tpu.dma_semaphore, #tpu.memory_space<semaphore_mem>>
        %dma_start3A = arith.constant 0 : i32
        %dma_start3A_20 = tpu.memref_slice %arg6[%add3A_19, %dma_start3A] : memref<79x128xi32, #tpu.memory_space<vmem>> -> memref<1x128xi32, #tpu.memory_space<vmem>>
        %dma_start3A_21 = tpu.memref_squeeze %dma_start3A_20 : memref<1x128xi32, #tpu.memory_space<vmem>> -> memref<128xi32, #tpu.memory_space<vmem>>
        %dma_start3A_22 = arith.constant 0 : i32
        %dma_start3A_23 = arith.constant 0 : i32
        %dma_start3A_24 = tpu.memref_slice %arg2[%dma_start3A_22, %dma_start3A_23] : memref<10240x128xf32, #tpu.memory_space<hbm>> -> memref<10240x128xf32, #tpu.memory_space<hbm>>
        tpu.enqueue_indirect_dma source(%dma_start3A_24 : memref<10240x128xf32, #tpu.memory_space<hbm>>) target(%arg8 : memref<128x128xf32, #tpu.memory_space<vmem>>) offsets(%dma_start3A_21 : memref<128xi32, #tpu.memory_space<vmem>>) semaphore(%run_scoped3A : memref<!tpu.dma_semaphore, #tpu.memory_space<semaphore_mem>>)
        %dma_wait3A = arith.constant 0 : i32
        %dma_wait3A_25 = tpu.memref_slice %arg6[%add3A_19, %dma_wait3A] : memref<79x128xi32, #tpu.memory_space<vmem>> -> memref<1x128xi32, #tpu.memory_space<vmem>>
        %dma_wait3A_26 = tpu.memref_squeeze %dma_wait3A_25 : memref<1x128xi32, #tpu.memory_space<vmem>> -> memref<128xi32, #tpu.memory_space<vmem>>
        %dma_wait3A_27 = arith.constant 0 : i32
        %dma_wait3A_28 = arith.constant 0 : i32
        %dma_wait3A_29 = tpu.memref_slice %arg2[%dma_wait3A_27, %dma_wait3A_28] : memref<10240x128xf32, #tpu.memory_space<hbm>> -> memref<10240x128xf32, #tpu.memory_space<hbm>>
        tpu.wait_indirect_dma semaphore(%run_scoped3A : memref<!tpu.dma_semaphore, #tpu.memory_space<semaphore_mem>>) src(%dma_wait3A_29 : memref<10240x128xf32, #tpu.memory_space<hbm>>) dst(%arg8 : memref<128x128xf32, #tpu.memory_space<vmem>>)
        tpu.yield
      }) : () -> ()
      "tpu.region"() ({
        %run_scoped3A = tpu.sem_alloc : memref<!tpu.dma_semaphore, #tpu.memory_space<semaphore_mem>>
        %dma_start3A = arith.constant 0 : i32
        %dma_start3A_20 = tpu.memref_slice %arg7[%add3A_19, %dma_start3A] : memref<79x128xi32, #tpu.memory_space<vmem>> -> memref<1x128xi32, #tpu.memory_space<vmem>>
        %dma_start3A_21 = tpu.memref_squeeze %dma_start3A_20 : memref<1x128xi32, #tpu.memory_space<vmem>> -> memref<128xi32, #tpu.memory_space<vmem>>
        %dma_start3A_22 = arith.constant 0 : i32
        %dma_start3A_23 = arith.constant 0 : i32
        %dma_start3A_24 = tpu.memref_slice %arg9[%dma_start3A_22, %dma_start3A_23] : memref<10240x128xf32, #tpu.memory_space<vmem_shared>> -> memref<10240x128xf32, #tpu.memory_space<vmem_shared>>
        tpu.enqueue_indirect_dma source(%arg8 : memref<128x128xf32, #tpu.memory_space<vmem>>) target(%dma_start3A_24 : memref<10240x128xf32, #tpu.memory_space<vmem_shared>>) offsets(%dma_start3A_21 : memref<128xi32, #tpu.memory_space<vmem>>) semaphore(%run_scoped3A : memref<!tpu.dma_semaphore, #tpu.memory_space<semaphore_mem>>) {add = true}
        %dma_wait3A = arith.constant 0 : i32
        %dma_wait3A_25 = tpu.memref_slice %arg7[%add3A_19, %dma_wait3A] : memref<79x128xi32, #tpu.memory_space<vmem>> -> memref<1x128xi32, #tpu.memory_space<vmem>>
        %dma_wait3A_26 = tpu.memref_squeeze %dma_wait3A_25 : memref<1x128xi32, #tpu.memory_space<vmem>> -> memref<128xi32, #tpu.memory_space<vmem>>
        %dma_wait3A_27 = arith.constant 0 : i32
        %dma_wait3A_28 = arith.constant 0 : i32
        %dma_wait3A_29 = tpu.memref_slice %arg9[%dma_wait3A_27, %dma_wait3A_28] : memref<10240x128xf32, #tpu.memory_space<vmem_shared>> -> memref<10240x128xf32, #tpu.memory_space<vmem_shared>>
        tpu.wait_indirect_dma semaphore(%run_scoped3A : memref<!tpu.dma_semaphore, #tpu.memory_space<semaphore_mem>>) src(%arg8 : memref<128x128xf32, #tpu.memory_space<vmem>>) dst(%dma_wait3A_29 : memref<10240x128xf32, #tpu.memory_space<vmem_shared>>)
        tpu.yield
      }) : () -> ()
    }
    %scan3A_14 = arith.constant 79 : i32
    %barrier3A_15 = arith.constant 0 : index
    tpu.barrier barrier_id(%barrier3A_15)
    "tpu.region"() ({
      %run_scoped3A = tpu.sem_alloc : memref<!tpu.dma_semaphore, #tpu.memory_space<semaphore_mem>>
      %dma_start3A = arith.constant 0 : i32
      %dma_start3A_16 = arith.constant 0 : i32
      %dma_start3A_17 = tpu.memref_slice %arg5[%arg0, %dma_start3A, %dma_start3A_16] : memref<2x10240x128xf32, #tpu.memory_space<hbm>> -> memref<1x10240x128xf32, #tpu.memory_space<hbm>>
      %dma_start3A_18 = tpu.memref_squeeze %dma_start3A_17 : memref<1x10240x128xf32, #tpu.memory_space<hbm>> -> memref<10240x128xf32, #tpu.memory_space<hbm>>
      %dma_start3A_19 = arith.constant 0 : i32
      %dma_start3A_20 = tpu.memref_slice %dma_start3A_18[%mul3A_0, %dma_start3A_19] : memref<10240x128xf32, #tpu.memory_space<hbm>> -> memref<640x128xf32, #tpu.memory_space<hbm>>
      %dma_start3A_21 = arith.constant 0 : i32
      %dma_start3A_22 = tpu.memref_slice %arg9[%mul3A_0, %dma_start3A_21] : memref<10240x128xf32, #tpu.memory_space<vmem_shared>> -> memref<640x128xf32, #tpu.memory_space<vmem_shared>>
      tpu.enqueue_dma source(%dma_start3A_22 : memref<640x128xf32, #tpu.memory_space<vmem_shared>>) target(%dma_start3A_20 : memref<640x128xf32, #tpu.memory_space<hbm>>) target_semaphore(%run_scoped3A : memref<!tpu.dma_semaphore, #tpu.memory_space<semaphore_mem>>)
      %dma_wait3A = arith.constant 0 : i32
      %dma_wait3A_23 = arith.constant 0 : i32
      %dma_wait3A_24 = tpu.memref_slice %arg5[%arg0, %dma_wait3A, %dma_wait3A_23] : memref<2x10240x128xf32, #tpu.memory_space<hbm>> -> memref<1x10240x128xf32, #tpu.memory_space<hbm>>
      %dma_wait3A_25 = tpu.memref_squeeze %dma_wait3A_24 : memref<1x10240x128xf32, #tpu.memory_space<hbm>> -> memref<10240x128xf32, #tpu.memory_space<hbm>>
      %dma_wait3A_26 = arith.constant 0 : i32
      %dma_wait3A_27 = tpu.memref_slice %dma_wait3A_25[%mul3A_0, %dma_wait3A_26] : memref<10240x128xf32, #tpu.memory_space<hbm>> -> memref<640x128xf32, #tpu.memory_space<hbm>>
      %dma_wait3A_28 = arith.constant 0 : i32
      %dma_wait3A_29 = tpu.memref_slice %arg9[%mul3A_0, %dma_wait3A_28] : memref<10240x128xf32, #tpu.memory_space<vmem_shared>> -> memref<640x128xf32, #tpu.memory_space<vmem_shared>>
      tpu.wait_dma2 semaphore(%run_scoped3A : memref<!tpu.dma_semaphore, #tpu.memory_space<semaphore_mem>>) src(%dma_wait3A_29 : memref<640x128xf32, #tpu.memory_space<vmem_shared>>) dst(%dma_wait3A_27 : memref<640x128xf32, #tpu.memory_space<hbm>>)
      tpu.yield
    }) : () -> ()
    return
  }
}

module attributes {stable_mosaic.version = 14 : i64} {
  func.func @_a_body(%arg0: i32, %arg1: memref<2x512x128xf32, #tpu.memory_space<vmem>>, %arg2: memref<512x128xf32, #tpu.memory_space<vmem>>, %arg3: memref<128x128xf32, #tpu.memory_space<vmem>>, %arg4: memref<512x128xf32, #tpu.memory_space<vmem>>, %arg5: memref<512x1xf32, #tpu.memory_space<vmem>>) attributes {dimension_semantics = [#tpu.dimension_semantics<arbitrary>], iteration_bounds = array<i64: 20>, scalar_prefetch = 0 : i64, scratch_operands = 0 : i64, tpu.core_type = #tpu.core_type<tc>, window_params = [{transform_indices = @transform_0, window_bounds = array<i64: 2, 512, 128>}, {transform_indices = @transform_1, window_bounds = array<i64: 512, 128>}, {pipeline_mode = #tpu.pipeline_mode<synchronous>, transform_indices = @transform_2, window_bounds = array<i64: 128, 128>}, {transform_indices = @transform_3, window_bounds = array<i64: 512, 128>}, {transform_indices = @transform_4, window_bounds = array<i64: 512, 1>}]} {
    %get3A = arith.constant 0 : index
    %get3A_0 = arith.constant 0 : index
    %get3A_1 = arith.constant 0 : index
    %get3A_2 = vector.load %arg1[%get3A, %get3A_0, %get3A_1] : memref<2x512x128xf32, #tpu.memory_space<vmem>>, vector<1x512x1xf32>
    %get3A_3 = vector.shape_cast %get3A_2 : vector<1x512x1xf32> to vector<512xf32>
    %get3A_4 = arith.constant 1 : index
    %get3A_5 = arith.constant 0 : index
    %get3A_6 = arith.constant 0 : index
    %get3A_7 = vector.load %arg1[%get3A_4, %get3A_5, %get3A_6] : memref<2x512x128xf32, #tpu.memory_space<vmem>>, vector<1x512x1xf32>
    %get3A_8 = vector.shape_cast %get3A_7 : vector<1x512x1xf32> to vector<512xf32>
    %add3A = arith.addf %get3A_3, %get3A_8 : vector<512xf32>
    %add3A_9 = arith.constant 1.000000e+00 : f32
    %add3A_10 = vector.broadcast %add3A_9 : f32 to vector<512xf32>
    %add3A_11 = arith.addf %add3A, %add3A_10 : vector<512xf32>
    %max3A = arith.constant 1.000000e+00 : f32
    %max3A_12 = vector.broadcast %max3A : f32 to vector<512xf32>
    %max3A_13 = arith.maximumf %add3A_11, %max3A_12 : vector<512xf32>
    %rsqrt3A = math.rsqrt %max3A_13 : vector<512xf32>
    %broadcast_in_dim3A = vector.shape_cast %rsqrt3A : vector<512xf32> to vector<512x1xf32>
    %swap3A = arith.constant 0 : index
    %swap3A_14 = arith.constant 0 : index
    %swap3A_15 = vector.load %arg5[%swap3A, %swap3A_14] : memref<512x1xf32, #tpu.memory_space<vmem>>, vector<512x1xf32>
    tpu.vector_store %arg5[%swap3A, %swap3A_14], %broadcast_in_dim3A {strides = array<i32>} : memref<512x1xf32, #tpu.memory_space<vmem>>, vector<512x1xf32>,
    %get3A_16 = arith.constant 0 : index
    %get3A_17 = arith.constant 0 : index
    %get3A_18 = vector.load %arg2[%get3A_16, %get3A_17] : memref<512x128xf32, #tpu.memory_space<vmem>>, vector<512x128xf32>
    %get3A_19 = arith.constant 0 : index
    %get3A_20 = arith.constant 0 : index
    %get3A_21 = vector.load %arg3[%get3A_19, %get3A_20] : memref<128x128xf32, #tpu.memory_space<vmem>>, vector<128x128xf32>
    %dot_general3A = arith.constant dense<0.000000e+00> : vector<512x128xf32>
    %dot_general3A_22 = tpu.matmul %get3A_18, %get3A_21, %dot_general3A {dimension_numbers = #tpu.dot_dimension_numbers<[1], [0], [0], [1], [0, 0, 1, 1], [], []>, transpose_lhs_hint = false} : vector<512x128xf32>, vector<128x128xf32>, vector<512x128xf32> -> vector<512x128xf32>
    %mul3A = vector.broadcast %broadcast_in_dim3A : vector<512x1xf32> to vector<512x128xf32>
    %mul3A_23 = arith.mulf %dot_general3A_22, %mul3A : vector<512x128xf32>
    %swap3A_24 = arith.constant 0 : index
    %swap3A_25 = arith.constant 0 : index
    %swap3A_26 = vector.load %arg4[%swap3A_24, %swap3A_25] : memref<512x128xf32, #tpu.memory_space<vmem>>, vector<512x128xf32>
    tpu.vector_store %arg4[%swap3A_24, %swap3A_25], %mul3A_23 {strides = array<i32>} : memref<512x128xf32, #tpu.memory_space<vmem>>, vector<512x128xf32>,
    return
  }
  func.func @transform_0(%arg0: i32) -> (i32, i32, i32) {
    %c0_i32 = arith.constant 0 : i32
    %c0_i32_0 = arith.constant 0 : i32
    %c0_i32_1 = arith.constant 0 : i32
    return %c0_i32, %arg0, %c0_i32_0 : i32, i32, i32
  }
  func.func @transform_1(%arg0: i32) -> (i32, i32) {
    %c0_i32 = arith.constant 0 : i32
    %c0_i32_0 = arith.constant 0 : i32
    return %arg0, %c0_i32 : i32, i32
  }
  func.func @transform_2(%arg0: i32) -> (i32, i32) {
    %c0_i32 = arith.constant 0 : i32
    %c0_i32_0 = arith.constant 0 : i32
    %c0_i32_1 = arith.constant 0 : i32
    return %c0_i32, %c0_i32_0 : i32, i32
  }
  func.func @transform_3(%arg0: i32) -> (i32, i32) {
    %c0_i32 = arith.constant 0 : i32
    %c0_i32_0 = arith.constant 0 : i32
    return %arg0, %c0_i32 : i32, i32
  }
  func.func @transform_4(%arg0: i32) -> (i32, i32) {
    %c0_i32 = arith.constant 0 : i32
    %c0_i32_0 = arith.constant 0 : i32
    return %arg0, %c0_i32 : i32, i32
  }
}

module attributes {stable_mosaic.version = 14 : i64} {
  func.func @_b_body(%arg0: i32, %arg1: memref<2x512x128xf32, #tpu.memory_space<vmem>>, %arg2: memref<512x128xf32, #tpu.memory_space<vmem>>, %arg3: memref<512x1xf32, #tpu.memory_space<vmem>>, %arg4: memref<1x128xf32, #tpu.memory_space<vmem>>, %arg5: memref<128x256xf32, #tpu.memory_space<vmem>>, %arg6: memref<512x128xf32, #tpu.memory_space<vmem>>, %arg7: memref<512x128xf32, #tpu.memory_space<vmem>>) attributes {dimension_semantics = [#tpu.dimension_semantics<arbitrary>], iteration_bounds = array<i64: 20>, scalar_prefetch = 0 : i64, scratch_operands = 0 : i64, tpu.core_type = #tpu.core_type<tc>, window_params = [{transform_indices = @transform_0, window_bounds = array<i64: 2, 512, 128>}, {transform_indices = @transform_1, window_bounds = array<i64: 512, 128>}, {transform_indices = @transform_2, window_bounds = array<i64: 512, 1>}, {pipeline_mode = #tpu.pipeline_mode<synchronous>, transform_indices = @transform_3, window_bounds = array<i64: 1, 128>}, {pipeline_mode = #tpu.pipeline_mode<synchronous>, transform_indices = @transform_4, window_bounds = array<i64: 128, 256>}, {transform_indices = @transform_5, window_bounds = array<i64: 512, 128>}, {transform_indices = @transform_6, window_bounds = array<i64: 512, 128>}]} {
    %get3A = arith.constant 0 : index
    %get3A_0 = arith.constant 0 : index
    %get3A_1 = vector.load %arg3[%get3A, %get3A_0] : memref<512x1xf32, #tpu.memory_space<vmem>>, vector<512x1xf32>
    %get3A_2 = arith.constant 0 : index
    %get3A_3 = arith.constant 0 : index
    %get3A_4 = arith.constant 0 : index
    %get3A_5 = vector.load %arg1[%get3A_2, %get3A_3, %get3A_4] : memref<2x512x128xf32, #tpu.memory_space<vmem>>, vector<1x512x128xf32>
    %get3A_6 = vector.shape_cast %get3A_5 : vector<1x512x128xf32> to vector<512x128xf32>
    %get3A_7 = arith.constant 1 : index
    %get3A_8 = arith.constant 0 : index
    %get3A_9 = arith.constant 0 : index
    %get3A_10 = vector.load %arg1[%get3A_7, %get3A_8, %get3A_9] : memref<2x512x128xf32, #tpu.memory_space<vmem>>, vector<1x512x128xf32>
    %get3A_11 = vector.shape_cast %get3A_10 : vector<1x512x128xf32> to vector<512x128xf32>
    %add3A = arith.addf %get3A_6, %get3A_11 : vector<512x128xf32>
    %get3A_12 = arith.constant 0 : index
    %get3A_13 = arith.constant 0 : index
    %get3A_14 = vector.load %arg2[%get3A_12, %get3A_13] : memref<512x128xf32, #tpu.memory_space<vmem>>, vector<512x128xf32>
    %add3A_15 = arith.addf %add3A, %get3A_14 : vector<512x128xf32>
    %mul3A = vector.broadcast %get3A_1 : vector<512x1xf32> to vector<512x128xf32>
    %mul3A_16 = arith.mulf %add3A_15, %mul3A : vector<512x128xf32>
    %get3A_17 = arith.constant 0 : index
    %get3A_18 = arith.constant 0 : index
    %get3A_19 = vector.load %arg4[%get3A_17, %get3A_18] : memref<1x128xf32, #tpu.memory_space<vmem>>, vector<1x128xf32>
    %add3A_20 = vector.broadcast %get3A_19 : vector<1x128xf32> to vector<512x128xf32>
    %add3A_21 = arith.addf %mul3A_16, %add3A_20 : vector<512x128xf32>
    %max3A = arith.constant 0.000000e+00 : f32
    %max3A_22 = vector.broadcast %max3A : f32 to vector<512x128xf32>
    %max3A_23 = arith.maximumf %add3A_21, %max3A_22 : vector<512x128xf32>
    %get3A_24 = arith.constant 0 : index
    %get3A_25 = arith.constant 0 : index
    %get3A_26 = vector.load %arg5[%get3A_24, %get3A_25] : memref<128x256xf32, #tpu.memory_space<vmem>>, vector<128x256xf32>
    %dot_general3A = arith.constant dense<0.000000e+00> : vector<512x256xf32>
    %dot_general3A_27 = tpu.matmul %max3A_23, %get3A_26, %dot_general3A {dimension_numbers = #tpu.dot_dimension_numbers<[1], [0], [0], [1], [0, 0, 1, 1], [], []>, transpose_lhs_hint = false} : vector<512x128xf32>, vector<128x256xf32>, vector<512x256xf32> -> vector<512x256xf32>
    %mul3A_28 = vector.broadcast %get3A_1 : vector<512x1xf32> to vector<512x256xf32>
    %mul3A_29 = arith.mulf %dot_general3A_27, %mul3A_28 : vector<512x256xf32>
    %slice3A = vector.extract_strided_slice %mul3A_29 {offsets = [0, 0], sizes = [512, 128], strides = [1, 1]} : vector<512x256xf32> to vector<512x128xf32>
    %swap3A = arith.constant 0 : index
    %swap3A_30 = arith.constant 0 : index
    %swap3A_31 = vector.load %arg6[%swap3A, %swap3A_30] : memref<512x128xf32, #tpu.memory_space<vmem>>, vector<512x128xf32>
    tpu.vector_store %arg6[%swap3A, %swap3A_30], %slice3A {strides = array<i32>} : memref<512x128xf32, #tpu.memory_space<vmem>>, vector<512x128xf32>,
    %slice3A_32 = vector.extract_strided_slice %mul3A_29 {offsets = [0, 128], sizes = [512, 128], strides = [1, 1]} : vector<512x256xf32> to vector<512x128xf32>
    %swap3A_33 = arith.constant 0 : index
    %swap3A_34 = arith.constant 0 : index
    %swap3A_35 = vector.load %arg7[%swap3A_33, %swap3A_34] : memref<512x128xf32, #tpu.memory_space<vmem>>, vector<512x128xf32>
    tpu.vector_store %arg7[%swap3A_33, %swap3A_34], %slice3A_32 {strides = array<i32>} : memref<512x128xf32, #tpu.memory_space<vmem>>, vector<512x128xf32>,
    return
  }
  func.func @transform_0(%arg0: i32) -> (i32, i32, i32) {
    %c0_i32 = arith.constant 0 : i32
    %c0_i32_0 = arith.constant 0 : i32
    %c0_i32_1 = arith.constant 0 : i32
    return %c0_i32, %arg0, %c0_i32_0 : i32, i32, i32
  }
  func.func @transform_1(%arg0: i32) -> (i32, i32) {
    %c0_i32 = arith.constant 0 : i32
    %c0_i32_0 = arith.constant 0 : i32
    return %arg0, %c0_i32 : i32, i32
  }
  func.func @transform_2(%arg0: i32) -> (i32, i32) {
    %c0_i32 = arith.constant 0 : i32
    %c0_i32_0 = arith.constant 0 : i32
    return %arg0, %c0_i32 : i32, i32
  }
  func.func @transform_3(%arg0: i32) -> (i32, i32) {
    %c0_i32 = arith.constant 0 : i32
    %c0_i32_0 = arith.constant 0 : i32
    %c0_i32_1 = arith.constant 0 : i32
    return %c0_i32, %c0_i32_0 : i32, i32
  }
  func.func @transform_4(%arg0: i32) -> (i32, i32) {
    %c0_i32 = arith.constant 0 : i32
    %c0_i32_0 = arith.constant 0 : i32
    %c0_i32_1 = arith.constant 0 : i32
    return %c0_i32, %c0_i32_0 : i32, i32
  }
  func.func @transform_5(%arg0: i32) -> (i32, i32) {
    %c0_i32 = arith.constant 0 : i32
    %c0_i32_0 = arith.constant 0 : i32
    return %arg0, %c0_i32 : i32, i32
  }
  func.func @transform_6(%arg0: i32) -> (i32, i32) {
    %c0_i32 = arith.constant 0 : i32
    %c0_i32_0 = arith.constant 0 : i32
    return %arg0, %c0_i32 : i32, i32
  }
}

module attributes {stable_mosaic.version = 14 : i64} {
  func.func @_c_body(%arg0: i32, %arg1: memref<2x512x128xf32, #tpu.memory_space<vmem>>, %arg2: memref<2x512x128xf32, #tpu.memory_space<vmem>>, %arg3: memref<512x128xf32, #tpu.memory_space<vmem>>, %arg4: memref<512x128xf32, #tpu.memory_space<vmem>>, %arg5: memref<512x1xf32, #tpu.memory_space<vmem>>, %arg6: memref<1x256xf32, #tpu.memory_space<vmem>>, %arg7: memref<1x1x512xi32, #tpu.memory_space<vmem>>, %arg8: memref<256x16xf32, #tpu.memory_space<vmem>>, %arg9: memref<1x16xf32, #tpu.memory_space<vmem>>, %arg10: memref<256x64xf32, #tpu.memory_space<vmem>>, %arg11: memref<1x64xf32, #tpu.memory_space<vmem>>, %arg12: memref<256x256xf32, #tpu.memory_space<vmem>>, %arg13: memref<256x16xf32, #tpu.memory_space<vmem>>, %arg14: memref<256x64xf32, #tpu.memory_space<vmem>>, %arg15: memref<256x256xf32, #tpu.memory_space<vmem>>, %arg16: memref<256x1xf32, #tpu.memory_space<vmem>>) attributes {dimension_semantics = [#tpu.dimension_semantics<arbitrary>], iteration_bounds = array<i64: 20>, scalar_prefetch = 0 : i64, scratch_operands = 2 : i64, tpu.core_type = #tpu.core_type<tc>, window_params = [{transform_indices = @transform_0, window_bounds = array<i64: 2, 512, 128>}, {transform_indices = @transform_1, window_bounds = array<i64: 2, 512, 128>}, {transform_indices = @transform_2, window_bounds = array<i64: 512, 128>}, {transform_indices = @transform_3, window_bounds = array<i64: 512, 128>}, {transform_indices = @transform_4, window_bounds = array<i64: 512, 1>}, {pipeline_mode = #tpu.pipeline_mode<synchronous>, transform_indices = @transform_5, window_bounds = array<i64: 1, 256>}, {transform_indices = @transform_6, window_bounds = array<i64: 1, 1, 512>}, {pipeline_mode = #tpu.pipeline_mode<synchronous>, transform_indices = @transform_7, window_bounds = array<i64: 256, 16>}, {pipeline_mode = #tpu.pipeline_mode<synchronous>, transform_indices = @transform_8, window_bounds = array<i64: 1, 16>}, {pipeline_mode = #tpu.pipeline_mode<synchronous>, transform_indices = @transform_9, window_bounds = array<i64: 256, 64>}, {pipeline_mode = #tpu.pipeline_mode<synchronous>, transform_indices = @transform_10, window_bounds = array<i64: 1, 64>}, {pipeline_mode = #tpu.pipeline_mode<synchronous>, transform_indices = @transform_11, window_bounds = array<i64: 256, 256>}, {pipeline_mode = #tpu.pipeline_mode<synchronous>, transform_indices = @transform_12, window_bounds = array<i64: 256, 16>}, {pipeline_mode = #tpu.pipeline_mode<synchronous>, transform_indices = @transform_13, window_bounds = array<i64: 256, 64>}]} {
    %eq3A = arith.constant 0 : i32
    %eq3A_0 = arith.cmpi eq, %arg0, %eq3A : i32
    %convert_element_type3A = arith.extui %eq3A_0 : i1 to i32
    %cond3A = arith.constant 0 : i32
    %cond3A_1 = arith.cmpi ne, %convert_element_type3A, %cond3A : i32
    scf.if %cond3A_1 {
      %broadcast_in_dim3A_68 = arith.constant 0.000000e+00 : f32
      %broadcast_in_dim3A_69 = vector.broadcast %broadcast_in_dim3A_68 : f32 to vector<256x256xf32>
      %swap3A_70 = arith.constant 0 : index
      %swap3A_71 = arith.constant 0 : index
      %swap3A_72 = vector.load %arg15[%swap3A_70, %swap3A_71] : memref<256x256xf32, #tpu.memory_space<vmem>>, vector<256x256xf32>
      tpu.vector_store %arg15[%swap3A_70, %swap3A_71], %broadcast_in_dim3A_69 {strides = array<i32>} : memref<256x256xf32, #tpu.memory_space<vmem>>, vector<256x256xf32>,
      %broadcast_in_dim3A_73 = arith.constant 0.000000e+00 : f32
      %broadcast_in_dim3A_74 = vector.broadcast %broadcast_in_dim3A_73 : f32 to vector<256x1xf32>
      %swap3A_75 = arith.constant 0 : index
      %swap3A_76 = arith.constant 0 : index
      %swap3A_77 = vector.load %arg16[%swap3A_75, %swap3A_76] : memref<256x1xf32, #tpu.memory_space<vmem>>, vector<256x1xf32>
      tpu.vector_store %arg16[%swap3A_75, %swap3A_76], %broadcast_in_dim3A_74 {strides = array<i32>} : memref<256x1xf32, #tpu.memory_space<vmem>>, vector<256x1xf32>,
    } else {
    }
    %get3A = arith.constant 0 : index
    %get3A_2 = arith.constant 0 : index
    %get3A_3 = vector.load %arg5[%get3A, %get3A_2] : memref<512x1xf32, #tpu.memory_space<vmem>>, vector<512x1xf32>
    %get3A_4 = arith.constant 0 : index
    %get3A_5 = arith.constant 0 : index
    %get3A_6 = arith.constant 0 : index
    %get3A_7 = vector.load %arg1[%get3A_4, %get3A_5, %get3A_6] : memref<2x512x128xf32, #tpu.memory_space<vmem>>, vector<1x512x128xf32>
    %get3A_8 = vector.shape_cast %get3A_7 : vector<1x512x128xf32> to vector<512x128xf32>
    %get3A_9 = arith.constant 0 : index
    %get3A_10 = arith.constant 0 : index
    %get3A_11 = arith.constant 0 : index
    %get3A_12 = vector.load %arg2[%get3A_9, %get3A_10, %get3A_11] : memref<2x512x128xf32, #tpu.memory_space<vmem>>, vector<1x512x128xf32>
    %get3A_13 = vector.shape_cast %get3A_12 : vector<1x512x128xf32> to vector<512x128xf32>
    %add3A = arith.addf %get3A_8, %get3A_13 : vector<512x128xf32>
    %get3A_14 = arith.constant 0 : index
    %get3A_15 = arith.constant 0 : index
    %get3A_16 = vector.load %arg3[%get3A_14, %get3A_15] : memref<512x128xf32, #tpu.memory_space<vmem>>, vector<512x128xf32>
    %add3A_17 = arith.addf %add3A, %get3A_16 : vector<512x128xf32>
    %get3A_18 = arith.constant 1 : index
    %get3A_19 = arith.constant 0 : index
    %get3A_20 = arith.constant 0 : index
    %get3A_21 = vector.load %arg1[%get3A_18, %get3A_19, %get3A_20] : memref<2x512x128xf32, #tpu.memory_space<vmem>>, vector<1x512x128xf32>
    %get3A_22 = vector.shape_cast %get3A_21 : vector<1x512x128xf32> to vector<512x128xf32>
    %get3A_23 = arith.constant 1 : index
    %get3A_24 = arith.constant 0 : index
    %get3A_25 = arith.constant 0 : index
    %get3A_26 = vector.load %arg2[%get3A_23, %get3A_24, %get3A_25] : memref<2x512x128xf32, #tpu.memory_space<vmem>>, vector<1x512x128xf32>
    %get3A_27 = vector.shape_cast %get3A_26 : vector<1x512x128xf32> to vector<512x128xf32>
    %add3A_28 = arith.addf %get3A_22, %get3A_27 : vector<512x128xf32>
    %get3A_29 = arith.constant 0 : index
    %get3A_30 = arith.constant 0 : index
    %get3A_31 = vector.load %arg4[%get3A_29, %get3A_30] : memref<512x128xf32, #tpu.memory_space<vmem>>, vector<512x128xf32>
    %add3A_32 = arith.addf %add3A_28, %get3A_31 : vector<512x128xf32>
    %concatenate3A = tpu.concatenate %add3A_17, %add3A_32 in 1 : vector<512x128xf32>, vector<512x128xf32> -> vector<512x256xf32>
    %mul3A = vector.broadcast %get3A_3 : vector<512x1xf32> to vector<512x256xf32>
    %mul3A_33 = arith.mulf %concatenate3A, %mul3A : vector<512x256xf32>
    %get3A_34 = arith.constant 0 : index
    %get3A_35 = arith.constant 0 : index
    %get3A_36 = vector.load %arg6[%get3A_34, %get3A_35] : memref<1x256xf32, #tpu.memory_space<vmem>>, vector<1x256xf32>
    %add3A_37 = vector.broadcast %get3A_36 : vector<1x256xf32> to vector<512x256xf32>
    %add3A_38 = arith.addf %mul3A_33, %add3A_37 : vector<512x256xf32>
    %get3A_39 = arith.constant 0 : index
    %get3A_40 = arith.constant 0 : index
    %get3A_41 = arith.constant 0 : index
    %get3A_42 = vector.load %arg7[%get3A_39, %get3A_40, %get3A_41] : memref<1x1x512xi32, #tpu.memory_space<vmem>>, vector<1x1x512xi32>
    %get3A_43 = vector.shape_cast %get3A_42 : vector<1x1x512xi32> to vector<1x512xi32>
    %iota3A = tpu.iota {dimensions = array<i32: 0>} : vector<256x512xi32>
    %eq3A_44 = vector.broadcast %get3A_43 : vector<1x512xi32> to vector<256x512xi32>
    %eq3A_45 = arith.cmpi eq, %eq3A_44, %iota3A : vector<256x512xi32>
    %convert_element_type3A_46 = arith.extui %eq3A_45 : vector<256x512xi1> to vector<256x512xi32>
    %convert_element_type3A_47 = arith.sitofp %convert_element_type3A_46 : vector<256x512xi32> to vector<256x512xf32>
    %get3A_48 = arith.constant 0 : index
    %get3A_49 = arith.constant 0 : index
    %get3A_50 = vector.load %arg15[%get3A_48, %get3A_49] : memref<256x256xf32, #tpu.memory_space<vmem>>, vector<256x256xf32>
    %dot_general3A = arith.constant dense<0.000000e+00> : vector<256x256xf32>
    %dot_general3A_51 = tpu.matmul %convert_element_type3A_47, %add3A_38, %dot_general3A {dimension_numbers = #tpu.dot_dimension_numbers<[1], [0], [0], [1], [0, 0, 1, 1], [], []>, transpose_lhs_hint = false} : vector<256x512xf32>, vector<512x256xf32>, vector<256x256xf32> -> vector<256x256xf32>
    %add3A_52 = arith.addf %get3A_50, %dot_general3A_51 : vector<256x256xf32>
    %swap3A = arith.constant 0 : index
    %swap3A_53 = arith.constant 0 : index
    %swap3A_54 = vector.load %arg15[%swap3A, %swap3A_53] : memref<256x256xf32, #tpu.memory_space<vmem>>, vector<256x256xf32>
    tpu.vector_store %arg15[%swap3A, %swap3A_53], %add3A_52 {strides = array<i32>} : memref<256x256xf32, #tpu.memory_space<vmem>>, vector<256x256xf32>,
    %get3A_55 = arith.constant 0 : index
    %get3A_56 = arith.constant 0 : index
    %get3A_57 = vector.load %arg16[%get3A_55, %get3A_56] : memref<256x1xf32, #tpu.memory_space<vmem>>, vector<256x1xf32>
    %reduce_sum3A = arith.constant dense<0.000000e+00> : vector<256xf32>
    %reduce_sum3A_58 = vector.multi_reduction <add>, %convert_element_type3A_47, %reduce_sum3A [1] : vector<256x512xf32> to vector<256xf32>
    %broadcast_in_dim3A = vector.shape_cast %reduce_sum3A_58 : vector<256xf32> to vector<256x1xf32>
    %add3A_59 = arith.addf %get3A_57, %broadcast_in_dim3A : vector<256x1xf32>
    %swap3A_60 = arith.constant 0 : index
    %swap3A_61 = arith.constant 0 : index
    %swap3A_62 = vector.load %arg16[%swap3A_60, %swap3A_61] : memref<256x1xf32, #tpu.memory_space<vmem>>, vector<256x1xf32>
    tpu.vector_store %arg16[%swap3A_60, %swap3A_61], %add3A_59 {strides = array<i32>} : memref<256x1xf32, #tpu.memory_space<vmem>>, vector<256x1xf32>,
    %eq3A_63 = arith.constant 19 : i32
    %eq3A_64 = arith.cmpi eq, %arg0, %eq3A_63 : i32
    %convert_element_type3A_65 = arith.extui %eq3A_64 : i1 to i32
    %cond3A_66 = arith.constant 0 : i32
    %cond3A_67 = arith.cmpi ne, %convert_element_type3A_65, %cond3A_66 : i32
    scf.if %cond3A_67 {
      %get3A_68 = arith.constant 0 : index
      %get3A_69 = arith.constant 0 : index
      %get3A_70 = vector.load %arg15[%get3A_68, %get3A_69] : memref<256x256xf32, #tpu.memory_space<vmem>>, vector<256x256xf32>
      %get3A_71 = arith.constant 0 : index
      %get3A_72 = arith.constant 0 : index
      %get3A_73 = vector.load %arg16[%get3A_71, %get3A_72] : memref<256x1xf32, #tpu.memory_space<vmem>>, vector<256x1xf32>
      %max3A = arith.constant 1.000000e+00 : f32
      %max3A_74 = vector.broadcast %max3A : f32 to vector<256x1xf32>
      %max3A_75 = arith.maximumf %get3A_73, %max3A_74 : vector<256x1xf32>
      %div3A = vector.broadcast %max3A_75 : vector<256x1xf32> to vector<256x256xf32>
      %div3A_76 = arith.divf %get3A_70, %div3A : vector<256x256xf32>
      %swap3A_77 = arith.constant 0 : index
      %swap3A_78 = arith.constant 0 : index
      %swap3A_79 = vector.load %arg12[%swap3A_77, %swap3A_78] : memref<256x256xf32, #tpu.memory_space<vmem>>, vector<256x256xf32>
      tpu.vector_store %arg12[%swap3A_77, %swap3A_78], %div3A_76 {strides = array<i32>} : memref<256x256xf32, #tpu.memory_space<vmem>>, vector<256x256xf32>,
      %get3A_80 = arith.constant 0 : index
      %get3A_81 = arith.constant 0 : index
      %get3A_82 = vector.load %arg8[%get3A_80, %get3A_81] : memref<256x16xf32, #tpu.memory_space<vmem>>, vector<256x16xf32>
      %dot_general3A_83 = arith.constant dense<0.000000e+00> : vector<256x16xf32>
      %dot_general3A_84 = tpu.matmul %div3A_76, %get3A_82, %dot_general3A_83 {dimension_numbers = #tpu.dot_dimension_numbers<[1], [0], [0], [1], [0, 0, 1, 1], [], []>, transpose_lhs_hint = false} : vector<256x256xf32>, vector<256x16xf32>, vector<256x16xf32> -> vector<256x16xf32>
      %get3A_85 = arith.constant 0 : index
      %get3A_86 = arith.constant 0 : index
      %get3A_87 = vector.load %arg9[%get3A_85, %get3A_86] : memref<1x16xf32, #tpu.memory_space<vmem>>, vector<1x16xf32>
      %add3A_88 = vector.broadcast %get3A_87 : vector<1x16xf32> to vector<256x16xf32>
      %add3A_89 = arith.addf %dot_general3A_84, %add3A_88 : vector<256x16xf32>
      %swap3A_90 = arith.constant 0 : index
      %swap3A_91 = arith.constant 0 : index
      %swap3A_92 = vector.load %arg13[%swap3A_90, %swap3A_91] : memref<256x16xf32, #tpu.memory_space<vmem>>, vector<256x16xf32>
      tpu.vector_store %arg13[%swap3A_90, %swap3A_91], %add3A_89 {strides = array<i32>} : memref<256x16xf32, #tpu.memory_space<vmem>>, vector<256x16xf32>,
      %get3A_93 = arith.constant 0 : index
      %get3A_94 = arith.constant 0 : index
      %get3A_95 = vector.load %arg10[%get3A_93, %get3A_94] : memref<256x64xf32, #tpu.memory_space<vmem>>, vector<256x64xf32>
      %dot_general3A_96 = arith.constant dense<0.000000e+00> : vector<256x64xf32>
      %dot_general3A_97 = tpu.matmul %div3A_76, %get3A_95, %dot_general3A_96 {dimension_numbers = #tpu.dot_dimension_numbers<[1], [0], [0], [1], [0, 0, 1, 1], [], []>, transpose_lhs_hint = false} : vector<256x256xf32>, vector<256x64xf32>, vector<256x64xf32> -> vector<256x64xf32>
      %get3A_98 = arith.constant 0 : index
      %get3A_99 = arith.constant 0 : index
      %get3A_100 = vector.load %arg11[%get3A_98, %get3A_99] : memref<1x64xf32, #tpu.memory_space<vmem>>, vector<1x64xf32>
      %add3A_101 = vector.broadcast %get3A_100 : vector<1x64xf32> to vector<256x64xf32>
      %add3A_102 = arith.addf %dot_general3A_97, %add3A_101 : vector<256x64xf32>
      %swap3A_103 = arith.constant 0 : index
      %swap3A_104 = arith.constant 0 : index
      %swap3A_105 = vector.load %arg14[%swap3A_103, %swap3A_104] : memref<256x64xf32, #tpu.memory_space<vmem>>, vector<256x64xf32>
      tpu.vector_store %arg14[%swap3A_103, %swap3A_104], %add3A_102 {strides = array<i32>} : memref<256x64xf32, #tpu.memory_space<vmem>>, vector<256x64xf32>,
    } else {
    }
    return
  }
  func.func @transform_0(%arg0: i32) -> (i32, i32, i32) {
    %c0_i32 = arith.constant 0 : i32
    %c0_i32_0 = arith.constant 0 : i32
    %c0_i32_1 = arith.constant 0 : i32
    return %c0_i32, %arg0, %c0_i32_0 : i32, i32, i32
  }
  func.func @transform_1(%arg0: i32) -> (i32, i32, i32) {
    %c0_i32 = arith.constant 0 : i32
    %c0_i32_0 = arith.constant 0 : i32
    %c0_i32_1 = arith.constant 0 : i32
    return %c0_i32, %arg0, %c0_i32_0 : i32, i32, i32
  }
  func.func @transform_2(%arg0: i32) -> (i32, i32) {
    %c0_i32 = arith.constant 0 : i32
    %c0_i32_0 = arith.constant 0 : i32
    return %arg0, %c0_i32 : i32, i32
  }
  func.func @transform_3(%arg0: i32) -> (i32, i32) {
    %c0_i32 = arith.constant 0 : i32
    %c0_i32_0 = arith.constant 0 : i32
    return %arg0, %c0_i32 : i32, i32
  }
  func.func @transform_4(%arg0: i32) -> (i32, i32) {
    %c0_i32 = arith.constant 0 : i32
    %c0_i32_0 = arith.constant 0 : i32
    return %arg0, %c0_i32 : i32, i32
  }
  func.func @transform_5(%arg0: i32) -> (i32, i32) {
    %c0_i32 = arith.constant 0 : i32
    %c0_i32_0 = arith.constant 0 : i32
    %c0_i32_1 = arith.constant 0 : i32
    return %c0_i32, %c0_i32_0 : i32, i32
  }
  func.func @transform_6(%arg0: i32) -> (i32, i32, i32) {
    %c0_i32 = arith.constant 0 : i32
    %c0_i32_0 = arith.constant 0 : i32
    %c0_i32_1 = arith.constant 0 : i32
    return %arg0, %c0_i32, %c0_i32_0 : i32, i32, i32
  }
  func.func @transform_7(%arg0: i32) -> (i32, i32) {
    %c0_i32 = arith.constant 0 : i32
    %c0_i32_0 = arith.constant 0 : i32
    %c0_i32_1 = arith.constant 0 : i32
    return %c0_i32, %c0_i32_0 : i32, i32
  }
  func.func @transform_8(%arg0: i32) -> (i32, i32) {
    %c0_i32 = arith.constant 0 : i32
    %c0_i32_0 = arith.constant 0 : i32
    %c0_i32_1 = arith.constant 0 : i32
    return %c0_i32, %c0_i32_0 : i32, i32
  }
  func.func @transform_9(%arg0: i32) -> (i32, i32) {
    %c0_i32 = arith.constant 0 : i32
    %c0_i32_0 = arith.constant 0 : i32
    %c0_i32_1 = arith.constant 0 : i32
    return %c0_i32, %c0_i32_0 : i32, i32
  }
  func.func @transform_10(%arg0: i32) -> (i32, i32) {
    %c0_i32 = arith.constant 0 : i32
    %c0_i32_0 = arith.constant 0 : i32
    %c0_i32_1 = arith.constant 0 : i32
    return %c0_i32, %c0_i32_0 : i32, i32
  }
  func.func @transform_11(%arg0: i32) -> (i32, i32) {
    %c0_i32 = arith.constant 0 : i32
    %c0_i32_0 = arith.constant 0 : i32
    %c0_i32_1 = arith.constant 0 : i32
    return %c0_i32, %c0_i32_0 : i32, i32
  }
  func.func @transform_12(%arg0: i32) -> (i32, i32) {
    %c0_i32 = arith.constant 0 : i32
    %c0_i32_0 = arith.constant 0 : i32
    %c0_i32_1 = arith.constant 0 : i32
    return %c0_i32, %c0_i32_0 : i32, i32
  }
  func.func @transform_13(%arg0: i32) -> (i32, i32) {
    %c0_i32 = arith.constant 0 : i32
    %c0_i32_0 = arith.constant 0 : i32
    %c0_i32_1 = arith.constant 0 : i32
    return %c0_i32, %c0_i32_0 : i32, i32
  }
}

</mosaic_0001>

<sc_bundles>
// kernel: kernel.12.cloned.1.call-start
scs
__scs_entry_jumppad:
0x0: {  	(pc) =	sbr.rel $0x88, $3  }
0x1: {  	(tag) =	ssettag $0x0;
	lr =	simm.s32 $0x1  }
0x2: {  	[smem:$0x3F96] =	sst lr;
	_ =	strace $0xD0000000  }
0x3: {  	_ = 	snop  }
0x4: {  	_ = 	snop  }
0x5: {  	_ = 	snop  }
0x6: {  	_ = 	snop  }
0x7: {  	_ = 	snop  }
__scs_overlays_trampoline_lowered:
0x8: {  	[smem:$0x3FA5] =	sst s0  }
0x9: {  	[smem:$0x3FA6] =	sst s1  }
0xa: {  	[smem:$0x3FA7] =	sst s2  }
0xb: {  	[smem:$0x3FA8] =	sst s3  }
0xc: {  	[smem:$0x3FA9] =	sst s4  }
0xd: {  	[smem:$0x3FAA] =	sst s5  }
0xe: {  	[smem:$0x3FAB] =	sst s6  }
0xf: {  	[smem:$0x3FAC] =	sst s7  }
0x10: {  	[smem:$0x3FAD] =	sst s8  }
0x11: {  	[smem:$0x3FAE] =	sst s9;
	s0 =	simm.s32 @!p0 $0x0  }
0x12: {  	s1 =	sld [smem:$0x3F94];
	s0 =	simm.s32 @p0 $0x1  }
0x13: {  	[smem:$0x3FAF] =	sst s0;
	s0 =	simm.s32 @!p1 $0x0  }
0x14: {  	s2 =	sld [smem:$0x3F93];
	s0 =	simm.s32 @p1 $0x1  }
0x15: {  	[smem:$0x3FB0] =	sst s0;
	s0 =	simm.s32 @!p2 $0x0  }
0x16: {  	s3 =	sld [smem:$0x3FDB];
	s0 =	simm.s32 @p2 $0x1  }
0x17: {  	s4 =	simm.s32 $0x1BF5;
	[smem:$0x3FB2] =	sst s0  }
0x18: {  	s0 =	sld [smem:$0x3F95];
	_ =	swait.ge [sflag:s4], $0x0  }
0x19: {  	s7 =	sld [smem:$0x3F96]  }
0x1a: {  	s8 =	sadd.s32 $0xFFFFE003, lr  }
0x1b: {  	s9 =	sadd.s32 $0xFFFFFEF7, lr;
	s5 =	simm.s32 $0xFFFFFFFF;
	p2 =	slt.u32 s8, $0xFFFFF086  }
0x1c: {  	p1 =	slt.u32 s9, $0xF7A;
	s5 =	simm.s32 @!p2 $0x0  }
0x1d: {  	s5 =	simm.s32 @p1 $0x1;
	p0 =	seq.s32 s7, s2  }
0x1e: {  	s7 =	smul.u32 @!p0 $0xF7A, s2;
	p2 =	seq.s32 @!p0 s5, $0x0  }
0x1f: {  	s9 =	smul.u32 $0xF7A, s1;
	s8 =	simm.s32 @!p0 $0x1BF5;
	p2 =	por !p2, p0  }
0x20: {  	[sflag:s8] =	ssyncset.s32 @!p0 $0xFFFFF086;
	s6 =	sadd.s32 @!p0 s3, s7;
	s7 =	simm.s32 @!p0 $0x108  }
0x21: {  	s3 =	sadd.s32 s3, s9;
	s6 =	sadd.s32 @!p0 $0x88, s6;
	s7 =	simm.s32 @p2 $0x1082  }
0x22: {  	[simem:s7], [sflag:s8] =	dma.local @!p0 [hbm:s6], $0xF7A  }
0x23: {  	s9 =	sor.u32 $0xD0000000, s2;
	s6 =	simm.s32 $0x108;
	_ =	swait.ge @!p0 [sflag:s8], $0x0  }
0x24: {  	s3 =	sadd.s32 $0x88, s3;
	s6 =	simm.s32 @!p1 $0x1082;
	[sflag:s4] =	ssyncset.s32 $0xFFFFF086  }
0x25: {  	[simem:s6], [sflag:s4] =	dma.local [hbm:s3], $0xF7A  }
0x26: {  	[smem:$0x3F96] =	sst s1;
	(tag) =	ssettag s2;
	_ =	strace s9  }
0x27: {  	s1 =	sld [smem:$0x3FA6]  }
0x28: {  	s2 =	sld [smem:$0x3FA7]  }
0x29: {  	s4 =	sld [smem:$0x3FA9]  }
0x2a: {  	p0 =	seq.s32 s5, $0x0;
	s5 =	sld [smem:$0x3FAA]  }
0x2b: {  	s6 =	sld [smem:$0x3FAB]  }
0x2c: {  	s7 =	sld [smem:$0x3FAC]  }
0x2d: {  	s3 =	simm.s32 $0x108;
	s8 =	sld [smem:$0x3FAD]  }
0x2e: {  	s3 =	simm.s32 @!p0 $0x1082;
	s9 =	sld [smem:$0x3FAE]  }
0x2f: {  	lr =	sadd.s32 s0, s3;
	s0 =	sld [smem:$0x3FA5]  }
0x30: {  	s3 =	sld [smem:$0x3FA8]  }
0x31: {  	[smem:$0x3FB1] =	sst s10  }
0x32: {  	s10 =	sld [smem:$0x3FAF];
	_ =	sdelay $0x3  }
0x33: {  	p0 =	seq.s32 s10, $0x1;
	s10 =	sld [smem:$0x3FB1];
	_ =	sdelay $0x3  }
0x34: {  	[smem:$0x3FB1] =	sst s10  }
0x35: {  	s10 =	sld [smem:$0x3FB0];
	_ =	sdelay $0x3  }
0x36: {  	p1 =	seq.s32 s10, $0x1;
	s10 =	sld [smem:$0x3FB1];
	_ =	sdelay $0x3  }
0x37: {  	[smem:$0x3FB1] =	sst s10  }
0x38: {  	s10 =	sld [smem:$0x3FB2]  }
0x39: {  	_ = 	snop;
	(pc) =	sbr.ind lr, $3  }
0x3a: {  	_ = 	snop  }
0x3b: {  	_ = 	snop  }
0x3c: {  	p2 =	seq.s32 s10, $0x1;
	s10 =	sld [smem:$0x3FB1]  }
0x3d: {  	_ =	shalt  }
0x3e: {  	_ =	shalt  }
0x3f: {  	_ =	shalt  }
0x40: {  	_ =	shalt  }
0x41: {  	_ =	shalt  }
0x42: {  	_ =	shalt  }
0x43: {  	_ =	shalt  }
0x44: {  	_ =	shalt  }
0x45: {  	_ =	shalt  }
0x46: {  	_ =	shalt  }
0x47: {  	_ =	shalt  }
0x48: {  	_ =	shalt  }
0x49: {  	_ =	shalt  }
0x4a: {  	_ =	shalt  }
0x4b: {  	_ =	shalt  }
0x4c: {  	_ =	shalt  }
0x4d: {  	_ =	shalt  }
0x4e: {  	_ =	shalt  }
0x4f: {  	_ =	shalt  }
0x50: {  	_ =	shalt  }
0x51: {  	_ =	shalt  }
0x52: {  	_ =	shalt  }
0x53: {  	_ =	shalt  }
0x54: {  	_ =	shalt  }
0x55: {  	_ =	shalt  }
0x56: {  	_ =	shalt  }
0x57: {  	_ =	shalt  }
0x58: {  	_ =	shalt  }
0x59: {  	_ =	shalt  }
0x5a: {  	_ =	shalt  }
0x5b: {  	_ =	shalt  }
0x5c: {  	_ =	shalt  }
0x5d: {  	_ =	shalt  }
0x5e: {  	_ =	shalt  }
0x5f: {  	_ =	shalt  }
0x60: {  	_ =	shalt  }
0x61: {  	_ =	shalt  }
0x62: {  	_ =	shalt  }
0x63: {  	_ =	shalt  }
0x64: {  	_ =	shalt  }
0x65: {  	_ =	shalt  }
0x66: {  	_ =	shalt  }
0x67: {  	_ =	shalt  }
0x68: {  	_ =	shalt  }
0x69: {  	_ =	shalt  }
0x6a: {  	_ =	shalt  }
0x6b: {  	_ =	shalt  }
0x6c: {  	_ =	shalt  }
0x6d: {  	_ =	shalt  }
0x6e: {  	_ =	shalt  }
0x6f: {  	_ =	shalt  }
0x70: {  	_ =	shalt  }
0x71: {  	_ =	shalt  }
0x72: {  	_ =	shalt  }
0x73: {  	_ =	shalt  }
0x74: {  	_ =	shalt  }
0x75: {  	_ =	shalt  }
0x76: {  	_ =	shalt  }
0x77: {  	_ =	shalt  }
0x78: {  	_ =	shalt  }
0x79: {  	_ =	shalt  }
0x7a: {  	_ =	shalt  }
0x7b: {  	_ =	shalt  }
0x7c: {  	_ =	shalt  }
0x7d: {  	_ =	shalt  }
0x7e: {  	_ =	shalt  }
0x7f: {  	_ =	shalt  }
0x80: {  	_ =	shalt  }
0x81: {  	_ =	shalt  }
0x82: {  	_ =	shalt  }
0x83: {  	_ =	shalt  }
0x84: {  	_ =	shalt  }
0x85: {  	_ =	shalt  }
0x86: {  	_ =	shalt  }
0x87: {  	_ =	shalt  }
.Lfunc_end0:
.L_simem_size_0:
called_computation.1_lowered:
.L_overlay_start_0:
0x88: {  	s2 =	sld [smem:$0x3FD9]  }
0x89: {  	s3 =	sld [smem:$0x3FFE];
	_ =	sdelay $0x1  }
0x8a: {  	s1 =	srdreg.scid  }
0x8b: {  	s0 =	sand.u32 $0x1, s1  }
0x8c: {  	s16 =	sshll.u32 s0, $0xA;
	s2 =	sadd.s32 s3, s2  }
0x8d: {  	s2 =	sadd.s32 s2, s16  }
0x8e: {  	[smem:$0x3FBD] =	sst s2  }
0x8f: {  	_ = 	snop  }
0x90: {  	(tm) =	ssettm $0x1  }
0x91: {  	s17 =	sld [smem:$0x3FFB];
	_ =	sdelay $0x3  }
0x92: {  	_ =	strace s17  }
0x93: {  	s2 =	sld [smem:$0x3FFC];
	_ =	sdelay $0x3  }
0x94: {  	_ =	strace s2  }
0x95: {  	s2 =	sld [smem:$0x3FFD];
	_ =	sdelay $0x3  }
0x96: {  	_ =	strace s2  }
0x97: {  	_ =	strace $0x8FFFFFFF  }
0x98: {  	s18 =	sld [smem:$0x3FDB];
	_ =	sdelay $0x1  }
0x99: {  	s19 =	simm.s32 $_scs_section_size  }
0x9a: {  	s4 =	simm.s32 $_size__tile_overlayer_lowered;
	s5 =	simm.s32 $_tile_overlayer_lowered  }
0x9b: {  	s22 =	simm.s32 $0x1BFF;
	s21 =	sshll.u32 s5, $0x1;
	s2 =	sadd.s32 s19, s18  }
0x9c: {  	s6 =	simm.s32 $0x0;
	s20 =	sshll.u32 s4, $0x1;
	s4 =	sadd.s32 s21, s2  }
0x9d: {  	[timem:s6], [sflag:s22] =	dma.local [hbm:s4], s20  }
0x9e: {  	_ =	swait.ge [sflag:s22], s20  }
0x9f: {  	s3 =	ssub.s32 $0x0, s20;
	[sflag:s22] =	ssyncset.done $0x0  }
0xa0: {  	[sflag:s22] =	ssyncadd.s32 s3;
	_ =	sdelay $0x1  }
0xa1: {  	s23 =	simm.s32 $0x1B8B  }
0xa2: {  	_ =	swait.ge [sflag:s23], $0x1  }
0xa3: {  	[sflag:s23] =	ssyncset.done $0x0  }
0xa4: {  	s25 =	simm.s32 $0x1B8E;
	s24 =	sld [smem:$0x3FFE];
	[sflag:s23] =	ssyncadd.s32 $0xFFFFFFFF  }
0xa5: {  	s26 =	simm.s32 $execute0_lowered;
	[smem:$0x3FD2] =	sst s25  }
0xa6: {  	s4 =	sshll.u32 s26, $0x1;
	_ =	strace $0x80000049;
	[dreg:$0x1] =	wrdreg $0xFFFFFFFF  }
0xa7: {  	s28 =	simm.s32 $_size_execute0_lowered;
	s2 =	sadd.s32 s2, s4;
	[dreg:$0x0] =	wrdreg $0x0  }
0xa8: {  	s4 =	sshll.u32 s28, $0x1;
	[dreg:$0x2] =	wrdreg s2  }
0xa9: {  	[dreg:$0x3] =	wrdreg s4  }
0xaa: {  	[dreg:$0x4] =	wrdreg $0xC0  }
0xab: {  	_ =	task [dreg:s6], $0x5FFFF  }
0xac: {  	[dreg:$0x1] =	wrdreg $0xFFFFFFFF  }
0xad: {  	[dreg:$0x0] =	wrdreg $0x60  }
0xae: {  	[dreg:$0x2] =	wrdreg s24  }
0xaf: {  	[dreg:$0x3] =	wrdreg $0x90000  }
0xb0: {  	[dreg:$0x4] =	wrdreg $0x9  }
0xb1: {  	_ =	task.clear_ibuf [dreg:s6], $0x5FFFF;
	_ =	strace $0x90000049  }
0xb2: {  	s29 =	simm.s32 $0x9;
	_ =	strace $0x8000004B  }
0xb3: {  	_ =	swait.ge [sflag:s29], $0x1  }
0xb4: {  	[sflag:s29] =	ssyncadd.s32 $0xFFFFFFFF  }
0xb5: {  	_ =	strace $0x9000004B  }
0xb6: {  	_ =	sfence  }
0xb7: {  	s30 =	sld [smem:$0x0];
	_ =	sdelay $0x2  }
0xb8: {  	s31 =	sshll.u32 s1, $0xD;
	s1 =	sshrl.u32 s1, $0x2  }
0xb9: {  	s3 =	sand.u32 $0x4000, s31;
	s1 =	sadd.s32 s1, s30  }
0xba: {  	s0 =	sor.u32 s3, s0;
	s1 =	sshll.u32 s1, $0x11  }
0xbb: {  	s0 =	sor.u32 s1, s0  }
0xbc: {  	s0 =	sadd.s32 $0x8F2B, s0  }
0xbd: {  	[sflag:s0] =	ssyncadd.remote.s32 $0x1  }
0xbe: {  	_ =	sfence.sel $0xFFFF  }
0xbf: {  	[dreg:$0x0] =	wrdreg $0xFFFFFFFF;
	(pc) =	sbr.abs _section_cstart, $3  }
0xc0: {  	[dreg:$0x1] =	wrdreg $0xFFFFFFFF  }
0xc1: {  	_ =	task.clear_ibuf [dreg:s6], $0x2FFFF;
	_ =	strace $0x9FFFFFFF  }
0xc2: {  	(tm) =	ssettm $0x7FFFFFFF  }
0xc3: {  	_ =	shalt  }
tec
execute0_lowered:
.L_overlay_start_1:
0x0: {  	(tag) =	ssettag $0x1  }
0x1: {  	s5 =	rddreg [dreg:$0x0];
	s3 =	srdreg.scid  }
0x2: {  	s1 =	rddreg [dreg:$0x1];
	s4 =	sand.u32 $0x1, s3  }
0x3: {  	s0 =	rddreg [dreg:$0x2];
	s2 =	simm.s32 $0x0;
	s6 =	smul.u32 $0x5000, s4  }
0x4: {  	s11 =	simm.s32 $0x5000;
	s3 =	stileid.u32;
	s7 =	smul.u32 $0x28000, s4  }
0x5: {  	s12 =	simm.s32 $0x1;
	[smem:$0x7FF] =	sst s2;
	s9 =	smul.u32 $0x50000, s3  }
0x6: {  	s16 =	simm.s32 $0x80;
	_ =	strace $0x8000004A;
	s14 =	smul.u32 $0x500, s3  }
0x7: {  	s8 =	ssub.s32 $0x2, s4;
	s4 =	sadd.s32 $0xE400, s5;
	s18 =	smul.u32 $0x2800, s3  }
0x8: {  	s19 =	sshll.u32 s3, $0x6;
	s10 =	sshrl.u32 s8, $0x1;
	s6 =	sadd.s32 s6, s5  }
0x9: {  	s7 =	sadd.s32 s7, s5;
	s8 =	ssub.s32 s8, s10;
	s31 =	sshrl.u32 s9, $0x2  }
0xa: {  	s5 =	sadd.s32 s31, s1;
	s13 =	sadd.s32 $0x5E400, s6;
	s15 =	sadd.s32 $0x4400, s6  }
0xb: {  	s17 =	sadd.s32 $0x68400, s7;
	s6 =	smax.u32 s8, $0x1;
	s7 =	sadd.s32 $0x4000, s5  }
0xc: {  	s8 =	sadd.s32 $0x8000, s5;
	s9 =	sadd.s32 $0xC000, s5;
	s10 =	sadd.s32 $0x10000, s5  }
0xd: {  	s13 =	sadd.s32 s14, s13;
	s14 =	sadd.s32 s14, s15;
	s15 =	simm.s32 $0x2800  }
0xe: {  	v0 =	vimm.f32 $0.0e+00;
	s17 =	sadd.s32 s18, s17;
	s18 =	sor.u32 $0x1C01, s19;
	s19 =	sshrl.u32 s5, $0x3  }
.LBB2_1:
0xf: {  	s20 =	simm.s32 $0x0;
	s21 =	simm.s32 $0x200  }
.LBB2_2:
0x10: {  	p0 =	sne.s32 s21, $0xFE00;
	[tilespmem:s20+$0x5070] =	vst v0  }
0x11: {  	[tilespmem:s20+$0x5000] =	vst v0  }
0x12: {  	[tilespmem:s20+$0x5010] =	vst v0  }
.Ltmp0:
0x13: {  	[tilespmem:s20+$0x5020] =	vst v0;
	(pc) =	sbr.rel @p0 .LBB2_2-.Ltmp0, $4  }
0x14: {  	[tilespmem:s20+$0x5030] =	vst v0  }
0x15: {  	[tilespmem:s20+$0x5040] =	vst v0  }
0x16: {  	[tilespmem:s20+$0x5050] =	vst v0  }
0x17: {  	[tilespmem:s20+$0x5060] =	vst v0;
	s20 =	sshra.s32 s21, $0x2;
	s21 =	sadd.s32 $0x200, s21  }
0x18: {  	[tilespmem:s20+$0x5070] =	vst v0  }
0x19: {  	[tilespmem:s20+$0x5000] =	vst v0  }
0x1a: {  	[tilespmem:s20+$0x5010] =	vst v0  }
0x1b: {  	[tilespmem:s20+$0x5020] =	vst v0  }
0x1c: {  	[tilespmem:s20+$0x5030] =	vst v0  }
0x1d: {  	[tilespmem:s20+$0x5040] =	vst v0  }
0x1e: {  	[tilespmem:s20+$0x5050] =	vst v0  }
0x1f: {  	[tilespmem:s20+$0x5060] =	vst v0  }
0x20: {  	[spmem:s5] =	stream.linear.scatter [tilespmem:s11], [sflag:$0x1], $0x4000, $0x38;
	[tilespmem:$0x1D000] =	vst v63  }
0x21: {  	_ =	swait.ge [sflag:s12], $0x4000  }
0x22: {  	[sflag:s12] =	ssyncset.done $0x0  }
0x23: {  	[sflag:s12] =	ssyncadd.s32 $0xFFFFC000  }
0x24: {  	[spmem:s7] =	stream.linear.scatter [tilespmem:s11], [sflag:$0x1], $0x4000, $0x38;
	[tilespmem:$0x1D000] =	vst v63  }
0x25: {  	_ =	swait.ge [sflag:s12], $0x4000  }
0x26: {  	[sflag:s12] =	ssyncset.done $0x0  }
0x27: {  	[sflag:s12] =	ssyncadd.s32 $0xFFFFC000  }
0x28: {  	[spmem:s8] =	stream.linear.scatter [tilespmem:s11], [sflag:$0x1], $0x4000, $0x38;
	[tilespmem:$0x1D000] =	vst v63  }
0x29: {  	_ =	swait.ge [sflag:s12], $0x4000  }
0x2a: {  	[sflag:s12] =	ssyncset.done $0x0  }
0x2b: {  	[sflag:s12] =	ssyncadd.s32 $0xFFFFC000  }
0x2c: {  	[spmem:s9] =	stream.linear.scatter [tilespmem:s11], [sflag:$0x1], $0x4000, $0x38;
	[tilespmem:$0x1D000] =	vst v63  }
0x2d: {  	_ =	swait.ge [sflag:s12], $0x4000  }
0x2e: {  	[sflag:s12] =	ssyncset.done $0x0  }
0x2f: {  	[sflag:s12] =	ssyncadd.s32 $0xFFFFC000  }
0x30: {  	[spmem:s10] =	stream.linear.scatter [tilespmem:s11], [sflag:$0x1], $0x4000, $0x38;
	[tilespmem:$0x1D000] =	vst v63  }
0x31: {  	_ =	swait.ge [sflag:s12], $0x4000  }
0x32: {  	[sflag:s12] =	ssyncset.done $0x0  }
0x33: {  	s29 =	simm.s32 $0x0;
	[sflag:s12] =	ssyncadd.s32 $0xFFFFC000  }
0x34: {  	[tilespmem:s29], [sflag:$0x1] =	stream.linear.gather [hbm4b:s13+s29], $0x2780, $0x38;
	[tilespmem:$0x1D000] =	vst v63  }
0x35: {  	_ =	swait.ge [sflag:s12], $0x2780  }
0x36: {  	[sflag:s12] =	ssyncset.done $0x0  }
0x37: {  	[sflag:s12] =	ssyncadd.s32 $0xFFFFD880  }
0x38: {  	[tilespmem:s15], [sflag:$0x1] =	stream.linear.gather [hbm4b:s14+s29], $0x2780, $0x38;
	[tilespmem:$0x1D000] =	vst v63  }
0x39: {  	_ =	swait.ge [sflag:s12], $0x2780  }
0x3a: {  	[sflag:s12] =	ssyncset.done $0x0  }
0x3b: {  	[sflag:s12] =	ssyncadd.s32 $0xFFFFD880  }
0x3c: {  	s30 =	simm.s32 $0x0;
	[bflag:$0x0] =	sbarrier.arrive $0xFFFF  }
0x3d: {  	[tilespmem:s11], [sflag:$0x1] =	stream.indirect.gather [hbm4b:s4+s16], $0x80, s30, s16, $0xb8;
	[tilespmem:$0x1D000] =	vst v63  }
0x3e: {  	_ =	swait.ge [sflag:s12], $0x4000  }
0x3f: {  	[sflag:s12] =	ssyncset.done $0x0  }
0x40: {  	s31 =	simm.s32 $0x2800;
	[sflag:s12] =	ssyncadd.s32 $0xFFFFC000  }
0x41: {  	[spmem:s1] =	stream.indirect.scatter.add.f32 [tilespmem:s11], [sflag:$0x1], $0x80, s31, s16, $0xb8;
	[tilespmem:$0x1D000] =	vst v63  }
0x42: {  	_ =	swait.ge [sflag:s12], $0x4000  }
0x43: {  	s20 =	simm.s32 $0x200;
	s21 =	simm.s32 $0x400;
	[sflag:s12] =	ssyncset.done $0x0  }
.LBB2_4:
0x44: {  	s22 =	sshra.s32 s20, $0x2  }
0x45: {  	[sflag:s12] =	ssyncadd.s32 $0xFFFFC000;
	s20 =	smov.u32 s21;
	s23 =	sadd.s32 $0x200, s21  }
0x46: {  	[tilespmem:s11], [sflag:$0x1] =	stream.indirect.gather [hbm4b:s4+s16], $0x80, s22, s16, $0xb8;
	[tilespmem:$0x1D000] =	vst v63  }
0x47: {  	p0 =	sne.s32 s21, $0x9C00;
	_ =	swait.ge [sflag:s12], $0x4000  }
.Ltmp1:
0x48: {  	[sflag:s12] =	ssyncset.done $0x0;
	(pc) =	sbr.rel @p0 .LBB2_4-.Ltmp1, $4  }
0x49: {  	s21 =	sadd.s32 $0x2800, s22;
	[sflag:s12] =	ssyncadd.s32 $0xFFFFC000  }
0x4a: {  	[spmem:s1] =	stream.indirect.scatter.add.f32 [tilespmem:s11], [sflag:$0x1], $0x80, s21, s16, $0xb8;
	[tilespmem:$0x1D000] =	vst v63  }
0x4b: {  	_ =	swait.ge [sflag:s12], $0x4000  }
0x4c: {  	s21 =	smov.u32 s23;
	[sflag:s12] =	ssyncset.done $0x0  }
0x4d: {  	s20 =	sshra.s32 s20, $0x2;
	[sflag:s12] =	ssyncadd.s32 $0xFFFFC000  }
0x4e: {  	[tilespmem:s11], [sflag:$0x1] =	stream.indirect.gather [hbm4b:s4+s16], $0x80, s20, s16, $0xb8;
	[tilespmem:$0x1D000] =	vst v63  }
0x4f: {  	_ =	swait.ge [sflag:s12], $0x4000  }
0x50: {  	[sflag:s12] =	ssyncset.done $0x0  }
0x51: {  	s20 =	sadd.s32 $0x2800, s20;
	[sflag:s12] =	ssyncadd.s32 $0xFFFFC000  }
0x52: {  	[spmem:s1] =	stream.indirect.scatter.add.f32 [tilespmem:s11], [sflag:$0x1], $0x80, s20, s16, $0xb8;
	[tilespmem:$0x1D000] =	vst v63  }
0x53: {  	_ =	swait.ge [sflag:s12], $0x4000  }
0x54: {  	s2 =	sadd.s32 $0x1, s2;
	[sflag:s12] =	ssyncset.done $0x0  }
0x55: {  	p0 =	sne.s32 s2, s6;
	[sflag:s12] =	ssyncadd.s32 $0xFFFFC000  }
.Ltmp2:
0x56: {  	[bflag:$0x0] =	sbarrier.arrive $0xFFFF;
	(pc) =	sbr.rel @p0 .LBB2_1-.Ltmp2, $4  }
0x57: {  	[hbm:s17], [sflag:s18] =	dma.local [spmem:s19], $0x2800  }
0x58: {  	_ =	swait.ge [sflag:s12], $0x2800  }
0x59: {  	[sflag:s12] =	ssyncset.done $0x0  }
0x5a: {  	[sflag:s12] =	ssyncadd.s32 $0xFFFFD800  }
0x5b: {  	_ =	sfence.sel $0x180000  }
0x5c: {  	[bflag:$0x0] =	sbarrier.arrive $0xFFFF  }
0x5d: {  	p0 =	sne.s32 s3, $0x0;
	_ =	strace $0x9000004A  }
0x5e: {  	s0 =	sadd.s32 @!p0 $0x100000, s0;
	[bflag:$0x2] =	sbarrier.arrive $0xFFFF  }
0x5f: {  	[sflag:s0] =	ssyncadd.tile.s32 @!p0 $0x1;
	_ =	shalt  }
.Lfunc_end2:
_tile_overlayer_lowered:
.L_overlay_start_2:
0x60: {  	(tag) =	ssettag $0x2  }
0x61: {  	s0 =	rddreg [dreg:$0x0];
	s2 =	stileid.u32  }
0x62: {  	s1 =	rddreg [dreg:$0x1];
	p0 =	sne.s32 s2, $0x0  }
0x63: {  	s3 =	rddreg [dreg:$0x2];
	[bflag:$0x3] =	sbarrier.arrive $0xFFFF;
	s2 =	simm.s32 @!p0 $0x1C01  }
0x64: {  	[timem:s3], [sflag:s2] =	dma.local @!p0 [hbm:s0], s1  }
0x65: {  	s0 =	simm.s32 @!p0 $0x1  }
0x66: {  	_ =	swait.ge @!p0 [sflag:s0], s1  }
0x67: {  	s1 =	ssub.s32 @!p0 $0x0, s1;
	[sflag:s0] =	ssyncset.done @!p0 $0x0  }
0x68: {  	[sflag:s0] =	ssyncadd.s32 @!p0 s1  }
0x69: {  	[bflag:$0x3] =	sbarrier.arrive $0xFFFF  }
0x6a: {  	_ =	shalt  }

// kernel: kernel.15.cloned.1.call-start
scs
__scs_entry_jumppad:
0x0: {  	(pc) =	sbr.rel $0x88, $3  }
0x1: {  	(tag) =	ssettag $0x0;
	lr =	simm.s32 $0x1  }
0x2: {  	[smem:$0x3F96] =	sst lr;
	_ =	strace $0xD0000000  }
0x3: {  	_ = 	snop  }
0x4: {  	_ = 	snop  }
0x5: {  	_ = 	snop  }
0x6: {  	_ = 	snop  }
0x7: {  	_ = 	snop  }
__scs_overlays_trampoline_lowered:
0x8: {  	[smem:$0x3FA5] =	sst s0  }
0x9: {  	[smem:$0x3FA6] =	sst s1  }
0xa: {  	[smem:$0x3FA7] =	sst s2  }
0xb: {  	[smem:$0x3FA8] =	sst s3  }
0xc: {  	[smem:$0x3FA9] =	sst s4  }
0xd: {  	[smem:$0x3FAA] =	sst s5  }
0xe: {  	[smem:$0x3FAB] =	sst s6  }
0xf: {  	[smem:$0x3FAC] =	sst s7  }
0x10: {  	[smem:$0x3FAD] =	sst s8  }
0x11: {  	[smem:$0x3FAE] =	sst s9;
	s0 =	simm.s32 @!p0 $0x0  }
0x12: {  	s1 =	sld [smem:$0x3F94];
	s0 =	simm.s32 @p0 $0x1  }
0x13: {  	[smem:$0x3FAF] =	sst s0;
	s0 =	simm.s32 @!p1 $0x0  }
0x14: {  	s2 =	sld [smem:$0x3F93];
	s0 =	simm.s32 @p1 $0x1  }
0x15: {  	[smem:$0x3FB0] =	sst s0;
	s0 =	simm.s32 @!p2 $0x0  }
0x16: {  	s3 =	sld [smem:$0x3FDB];
	s0 =	simm.s32 @p2 $0x1  }
0x17: {  	s4 =	simm.s32 $0x1BF5;
	[smem:$0x3FB2] =	sst s0  }
0x18: {  	s0 =	sld [smem:$0x3F95];
	_ =	swait.ge [sflag:s4], $0x0  }
0x19: {  	s7 =	sld [smem:$0x3F96]  }
0x1a: {  	s8 =	sadd.s32 $0xFFFFE003, lr  }
0x1b: {  	s9 =	sadd.s32 $0xFFFFFEF7, lr;
	s5 =	simm.s32 $0xFFFFFFFF;
	p2 =	slt.u32 s8, $0xFFFFF086  }
0x1c: {  	p1 =	slt.u32 s9, $0xF7A;
	s5 =	simm.s32 @!p2 $0x0  }
0x1d: {  	s5 =	simm.s32 @p1 $0x1;
	p0 =	seq.s32 s7, s2  }
0x1e: {  	s7 =	smul.u32 @!p0 $0xF7A, s2;
	p2 =	seq.s32 @!p0 s5, $0x0  }
0x1f: {  	s9 =	smul.u32 $0xF7A, s1;
	s8 =	simm.s32 @!p0 $0x1BF5;
	p2 =	por !p2, p0  }
0x20: {  	[sflag:s8] =	ssyncset.s32 @!p0 $0xFFFFF086;
	s6 =	sadd.s32 @!p0 s3, s7;
	s7 =	simm.s32 @!p0 $0x108  }
0x21: {  	s3 =	sadd.s32 s3, s9;
	s6 =	sadd.s32 @!p0 $0x88, s6;
	s7 =	simm.s32 @p2 $0x1082  }
0x22: {  	[simem:s7], [sflag:s8] =	dma.local @!p0 [hbm:s6], $0xF7A  }
0x23: {  	s9 =	sor.u32 $0xD0000000, s2;
	s6 =	simm.s32 $0x108;
	_ =	swait.ge @!p0 [sflag:s8], $0x0  }
0x24: {  	s3 =	sadd.s32 $0x88, s3;
	s6 =	simm.s32 @!p1 $0x1082;
	[sflag:s4] =	ssyncset.s32 $0xFFFFF086  }
0x25: {  	[simem:s6], [sflag:s4] =	dma.local [hbm:s3], $0xF7A  }
0x26: {  	[smem:$0x3F96] =	sst s1;
	(tag) =	ssettag s2;
	_ =	strace s9  }
0x27: {  	s1 =	sld [smem:$0x3FA6]  }
0x28: {  	s2 =	sld [smem:$0x3FA7]  }
0x29: {  	s4 =	sld [smem:$0x3FA9]  }
0x2a: {  	p0 =	seq.s32 s5, $0x0;
	s5 =	sld [smem:$0x3FAA]  }
0x2b: {  	s6 =	sld [smem:$0x3FAB]  }
0x2c: {  	s7 =	sld [smem:$0x3FAC]  }
0x2d: {  	s3 =	simm.s32 $0x108;
	s8 =	sld [smem:$0x3FAD]  }
0x2e: {  	s3 =	simm.s32 @!p0 $0x1082;
	s9 =	sld [smem:$0x3FAE]  }
0x2f: {  	lr =	sadd.s32 s0, s3;
	s0 =	sld [smem:$0x3FA5]  }
0x30: {  	s3 =	sld [smem:$0x3FA8]  }
0x31: {  	[smem:$0x3FB1] =	sst s10  }
0x32: {  	s10 =	sld [smem:$0x3FAF];
	_ =	sdelay $0x3  }
0x33: {  	p0 =	seq.s32 s10, $0x1;
	s10 =	sld [smem:$0x3FB1];
	_ =	sdelay $0x3  }
0x34: {  	[smem:$0x3FB1] =	sst s10  }
0x35: {  	s10 =	sld [smem:$0x3FB0];
	_ =	sdelay $0x3  }
0x36: {  	p1 =	seq.s32 s10, $0x1;
	s10 =	sld [smem:$0x3FB1];
	_ =	sdelay $0x3  }
0x37: {  	[smem:$0x3FB1] =	sst s10  }
0x38: {  	s10 =	sld [smem:$0x3FB2]  }
0x39: {  	_ = 	snop;
	(pc) =	sbr.ind lr, $3  }
0x3a: {  	_ = 	snop  }
0x3b: {  	_ = 	snop  }
0x3c: {  	p2 =	seq.s32 s10, $0x1;
	s10 =	sld [smem:$0x3FB1]  }
0x3d: {  	_ =	shalt  }
0x3e: {  	_ =	shalt  }
0x3f: {  	_ =	shalt  }
0x40: {  	_ =	shalt  }
0x41: {  	_ =	shalt  }
0x42: {  	_ =	shalt  }
0x43: {  	_ =	shalt  }
0x44: {  	_ =	shalt  }
0x45: {  	_ =	shalt  }
0x46: {  	_ =	shalt  }
0x47: {  	_ =	shalt  }
0x48: {  	_ =	shalt  }
0x49: {  	_ =	shalt  }
0x4a: {  	_ =	shalt  }
0x4b: {  	_ =	shalt  }
0x4c: {  	_ =	shalt  }
0x4d: {  	_ =	shalt  }
0x4e: {  	_ =	shalt  }
0x4f: {  	_ =	shalt  }
0x50: {  	_ =	shalt  }
0x51: {  	_ =	shalt  }
0x52: {  	_ =	shalt  }
0x53: {  	_ =	shalt  }
0x54: {  	_ =	shalt  }
0x55: {  	_ =	shalt  }
0x56: {  	_ =	shalt  }
0x57: {  	_ =	shalt  }
0x58: {  	_ =	shalt  }
0x59: {  	_ =	shalt  }
0x5a: {  	_ =	shalt  }
0x5b: {  	_ =	shalt  }
0x5c: {  	_ =	shalt  }
0x5d: {  	_ =	shalt  }
0x5e: {  	_ =	shalt  }
0x5f: {  	_ =	shalt  }
0x60: {  	_ =	shalt  }
0x61: {  	_ =	shalt  }
0x62: {  	_ =	shalt  }
0x63: {  	_ =	shalt  }
0x64: {  	_ =	shalt  }
0x65: {  	_ =	shalt  }
0x66: {  	_ =	shalt  }
0x67: {  	_ =	shalt  }
0x68: {  	_ =	shalt  }
0x69: {  	_ =	shalt  }
0x6a: {  	_ =	shalt  }
0x6b: {  	_ =	shalt  }
0x6c: {  	_ =	shalt  }
0x6d: {  	_ =	shalt  }
0x6e: {  	_ =	shalt  }
0x6f: {  	_ =	shalt  }
0x70: {  	_ =	shalt  }
0x71: {  	_ =	shalt  }
0x72: {  	_ =	shalt  }
0x73: {  	_ =	shalt  }
0x74: {  	_ =	shalt  }
0x75: {  	_ =	shalt  }
0x76: {  	_ =	shalt  }
0x77: {  	_ =	shalt  }
0x78: {  	_ =	shalt  }
0x79: {  	_ =	shalt  }
0x7a: {  	_ =	shalt  }
0x7b: {  	_ =	shalt  }
0x7c: {  	_ =	shalt  }
0x7d: {  	_ =	shalt  }
0x7e: {  	_ =	shalt  }
0x7f: {  	_ =	shalt  }
0x80: {  	_ =	shalt  }
0x81: {  	_ =	shalt  }
0x82: {  	_ =	shalt  }
0x83: {  	_ =	shalt  }
0x84: {  	_ =	shalt  }
0x85: {  	_ =	shalt  }
0x86: {  	_ =	shalt  }
0x87: {  	_ =	shalt  }
.Lfunc_end0:
.L_simem_size_0:
called_computation.2_lowered:
.L_overlay_start_0:
0x88: {  	s2 =	sld [smem:$0x3FD9]  }
0x89: {  	s3 =	sld [smem:$0x3FFE];
	_ =	sdelay $0x1  }
0x8a: {  	s1 =	srdreg.scid  }
0x8b: {  	s0 =	sand.u32 $0x1, s1  }
0x8c: {  	s17 =	sshll.u32 s0, $0xA;
	s2 =	sadd.s32 s3, s2  }
0x8d: {  	s2 =	sadd.s32 s2, s17  }
0x8e: {  	[smem:$0x3FBD] =	sst s2  }
0x8f: {  	_ = 	snop  }
0x90: {  	(tm) =	ssettm $0x1  }
0x91: {  	s18 =	sld [smem:$0x3FFB];
	_ =	sdelay $0x3  }
0x92: {  	_ =	strace s18  }
0x93: {  	s2 =	sld [smem:$0x3FFC];
	_ =	sdelay $0x3  }
0x94: {  	_ =	strace s2  }
0x95: {  	s2 =	sld [smem:$0x3FFD];
	_ =	sdelay $0x3  }
0x96: {  	_ =	strace s2  }
0x97: {  	_ =	strace $0x8FFFFFFF  }
0x98: {  	s19 =	sld [smem:$0x3FDB];
	_ =	sdelay $0x1  }
0x99: {  	s20 =	simm.s32 $_scs_section_size  }
0x9a: {  	s4 =	simm.s32 $_size__tile_overlayer_lowered;
	s5 =	simm.s32 $_tile_overlayer_lowered  }
0x9b: {  	s6 =	simm.s32 $0x1BFF;
	s21 =	sshll.u32 s5, $0x1;
	s3 =	sadd.s32 s20, s19  }
0x9c: {  	s22 =	simm.s32 $0x0;
	s4 =	sshll.u32 s4, $0x1;
	s5 =	sadd.s32 s21, s3  }
0x9d: {  	[timem:s22], [sflag:s6] =	dma.local [hbm:s5], s4  }
0x9e: {  	_ =	swait.ge [sflag:s6], s4  }
0x9f: {  	s4 =	ssub.s32 $0x0, s4;
	[sflag:s6] =	ssyncset.done $0x0  }
0xa0: {  	[sflag:s6] =	ssyncadd.s32 s4;
	_ =	sdelay $0x1  }
0xa1: {  	s23 =	simm.s32 $0x1B8B  }
0xa2: {  	_ =	swait.ge [sflag:s23], $0x1  }
0xa3: {  	[sflag:s23] =	ssyncset.done $0x0  }
0xa4: {  	[sflag:s23] =	ssyncadd.s32 $0xFFFFFFFF  }
0xa5: {  	s4 =	sld [smem:$0x0]  }
0xa6: {  	s5 =	sand.u32 $0xFFFFFFFE, s1  }
0xa7: {  	p0 =	sne.s32 s1, s5  }
0xa8: {  	s5 =	sshll.u32 @p0 s5, $0xE  }
0xa9: {  	s5 =	sadd.s32 @p0 $0x11B8D, s5;
	s6 =	sshll.u32 @p0 s4, $0x11  }
0xaa: {  	s5 =	sor.u32 @p0 s6, s5  }
0xab: {  	[sflag:s5] =	ssyncadd.remote.s32 @p0 $0x1;
	_ =	sdelay $0x1  }
0xac: {  	s5 =	simm.s32 @p0 $0x1B8D  }
0xad: {  	_ =	swait.eq @p0 [sflag:s5], $0x1  }
0xae: {  	[sflag:s5] =	ssyncadd.s32 @p0 $0xFFFFFFFF  }
0xaf: {  	s6 =	sshll.u32 @!p0 s1, $0xE  }
0xb0: {  	s6 =	sor.u32 @!p0 $0x4000, s6;
	s5 =	simm.s32 @!p0 $0x1B8D  }
0xb1: {  	s4 =	sshll.u32 @!p0 s4, $0x11;
	s6 =	sadd.s32 @!p0 $0x11B8D, s6;
	_ =	swait.eq @!p0 [sflag:s5], $0x1  }
0xb2: {  	s4 =	sor.u32 @!p0 s4, s6;
	[sflag:s5] =	ssyncadd.s32 @!p0 $0xFFFFFFFF  }
0xb3: {  	s25 =	simm.s32 $0x1B8E;
	s24 =	sld [smem:$0x3FFE];
	[sflag:s4] =	ssyncadd.remote.s32 @!p0 $0x1  }
0xb4: {  	s26 =	simm.s32 $execute0_lowered;
	[smem:$0x3FD2] =	sst s25  }
0xb5: {  	s5 =	sshll.u32 s26, $0x1;
	_ =	strace $0x8000004F;
	[dreg:$0x1] =	wrdreg $0xFFFFFFFF  }
0xb6: {  	s28 =	simm.s32 $_size_execute0_lowered;
	s3 =	sadd.s32 s3, s5;
	[dreg:$0x0] =	wrdreg $0x0  }
0xb7: {  	s5 =	sshll.u32 s28, $0x1;
	[dreg:$0x2] =	wrdreg s3  }
0xb8: {  	[dreg:$0x3] =	wrdreg s5  }
0xb9: {  	[dreg:$0x4] =	wrdreg $0xC0  }
0xba: {  	_ =	task [dreg:s22], $0x5FFFF  }
0xbb: {  	[dreg:$0x1] =	wrdreg $0xFFFFFFFF  }
0xbc: {  	[dreg:$0x0] =	wrdreg $0x60  }
0xbd: {  	[dreg:$0x2] =	wrdreg s24  }
0xbe: {  	[dreg:$0x3] =	wrdreg $0x90000  }
0xbf: {  	[dreg:$0x4] =	wrdreg $0x9  }
0xc0: {  	_ =	task.clear_ibuf [dreg:s22], $0x5FFFF;
	_ =	strace $0x9000004F  }
0xc1: {  	s29 =	simm.s32 $0x9;
	_ =	strace $0x80000051  }
0xc2: {  	_ =	swait.ge [sflag:s29], $0x1  }
0xc3: {  	[sflag:s29] =	ssyncadd.s32 $0xFFFFFFFF  }
0xc4: {  	_ =	strace $0x90000051  }
0xc5: {  	_ =	sfence  }
0xc6: {  	s30 =	sld [smem:$0x0];
	_ =	sdelay $0x2  }
0xc7: {  	s31 =	sshll.u32 s1, $0xD;
	s1 =	sshrl.u32 s1, $0x2  }
0xc8: {  	s4 =	sand.u32 $0x4000, s31;
	s1 =	sadd.s32 s1, s30  }
0xc9: {  	s0 =	sor.u32 s4, s0;
	s1 =	sshll.u32 s1, $0x11  }
0xca: {  	s0 =	sor.u32 s1, s0  }
0xcb: {  	s0 =	sadd.s32 $0x8F2B, s0  }
0xcc: {  	[sflag:s0] =	ssyncadd.remote.s32 $0x1  }
0xcd: {  	_ =	sfence.sel $0xFFFF  }
0xce: {  	[dreg:$0x0] =	wrdreg $0xFFFFFFFF;
	(pc) =	sbr.abs _section_cstart, $3  }
0xcf: {  	[dreg:$0x1] =	wrdreg $0xFFFFFFFF  }
0xd0: {  	_ =	task.clear_ibuf [dreg:s22], $0x2FFFF;
	_ =	strace $0x9FFFFFFF  }
0xd1: {  	(tm) =	ssettm $0x7FFFFFFF  }
tec
execute0_lowered:
.L_overlay_start_1:
0x0: {  	(tag) =	ssettag $0x1  }
0x1: {  	s12 =	rddreg [dreg:$0x0]  }
0x2: {  	s2 =	rddreg [dreg:$0x1]  }
0x3: {  	s0 =	rddreg [dreg:$0x2];
	s1 =	stileid.u32  }
0x4: {  	s3 =	simm.s32 $0x0;
	s5 =	srdreg.scid;
	s13 =	simm.s32 $0x4400  }
0x5: {  	s14 =	simm.s32 $0x1;
	s15 =	simm.s32 $0x2800;
	s4 =	smul.u32 $0x500, s1  }
0x6: {  	s16 =	simm.s32 $0x80;
	[smem:$0x7FF] =	sst s3;
	s30 =	smul.u32 $0x50000, s1  }
0x7: {  	s7 =	sand.u32 $0x1, s5;
	s18 =	smul.u32 $0x2800, s1;
	s19 =	sshll.u32 s1, $0x6  }
0x8: {  	_ =	strace $0x80000050;
	s6 =	smul.u32 $0x28000, s7;
	s8 =	ssub.s32 $0x2, s7  }
0x9: {  	p0 =	seq.s32 s7, $0x0;
	s9 =	sadd.s32 s4, s12;
	s31 =	sshrl.u32 s8, $0x1  }
0xa: {  	s5 =	sshrl.u32 s30, $0x2;
	s13 =	simm.s32 @!p0 $0x40400;
	s10 =	sadd.s32 s6, s12  }
0xb: {  	s8 =	ssub.s32 s8, s31;
	s4 =	sadd.s32 s5, s2;
	s5 =	sadd.s32 $0x2C400, s9  }
0xc: {  	s6 =	sadd.s32 $0x31400, s9;
	s12 =	sadd.s32 s13, s12;
	s13 =	simm.s32 $0x5000  }
0xd: {  	s17 =	sadd.s32 $0xB8400, s10;
	s7 =	smax.u32 s8, $0x1;
	s8 =	sadd.s32 $0x4000, s4  }
0xe: {  	s9 =	sadd.s32 $0x8000, s4;
	s10 =	sadd.s32 $0xC000, s4;
	s11 =	sadd.s32 $0x10000, s4  }
0xf: {  	v0 =	vimm.f32 $0.0e+00;
	s17 =	sadd.s32 s18, s17;
	s18 =	sor.u32 $0x1C01, s19;
	s19 =	sshrl.u32 s4, $0x3  }
.LBB2_1:
0x10: {  	s20 =	simm.s32 $0x0;
	s21 =	simm.s32 $0x200  }
.LBB2_2:
0x11: {  	p0 =	sne.s32 s21, $0xFE00;
	[tilespmem:s20+$0x5070] =	vst v0  }
0x12: {  	[tilespmem:s20+$0x5000] =	vst v0  }
0x13: {  	[tilespmem:s20+$0x5010] =	vst v0  }
.Ltmp0:
0x14: {  	[tilespmem:s20+$0x5020] =	vst v0;
	(pc) =	sbr.rel @p0 .LBB2_2-.Ltmp0, $4  }
0x15: {  	[tilespmem:s20+$0x5030] =	vst v0  }
0x16: {  	[tilespmem:s20+$0x5040] =	vst v0  }
0x17: {  	[tilespmem:s20+$0x5050] =	vst v0  }
0x18: {  	[tilespmem:s20+$0x5060] =	vst v0;
	s20 =	sshra.s32 s21, $0x2;
	s21 =	sadd.s32 $0x200, s21  }
0x19: {  	[tilespmem:s20+$0x5070] =	vst v0  }
0x1a: {  	[tilespmem:s20+$0x5000] =	vst v0  }
0x1b: {  	[tilespmem:s20+$0x5010] =	vst v0  }
0x1c: {  	[tilespmem:s20+$0x5020] =	vst v0  }
0x1d: {  	[tilespmem:s20+$0x5030] =	vst v0  }
0x1e: {  	[tilespmem:s20+$0x5040] =	vst v0  }
0x1f: {  	[tilespmem:s20+$0x5050] =	vst v0  }
0x20: {  	[tilespmem:s20+$0x5060] =	vst v0  }
0x21: {  	[spmem:s4] =	stream.linear.scatter [tilespmem:s13], [sflag:$0x1], $0x4000, $0x38;
	[tilespmem:$0x1D000] =	vst v63  }
0x22: {  	_ =	swait.ge [sflag:s14], $0x4000  }
0x23: {  	[sflag:s14] =	ssyncset.done $0x0  }
0x24: {  	[sflag:s14] =	ssyncadd.s32 $0xFFFFC000  }
0x25: {  	[spmem:s8] =	stream.linear.scatter [tilespmem:s13], [sflag:$0x1], $0x4000, $0x38;
	[tilespmem:$0x1D000] =	vst v63  }
0x26: {  	_ =	swait.ge [sflag:s14], $0x4000  }
0x27: {  	[sflag:s14] =	ssyncset.done $0x0  }
0x28: {  	[sflag:s14] =	ssyncadd.s32 $0xFFFFC000  }
0x29: {  	[spmem:s9] =	stream.linear.scatter [tilespmem:s13], [sflag:$0x1], $0x4000, $0x38;
	[tilespmem:$0x1D000] =	vst v63  }
0x2a: {  	_ =	swait.ge [sflag:s14], $0x4000  }
0x2b: {  	[sflag:s14] =	ssyncset.done $0x0  }
0x2c: {  	[sflag:s14] =	ssyncadd.s32 $0xFFFFC000  }
0x2d: {  	[spmem:s10] =	stream.linear.scatter [tilespmem:s13], [sflag:$0x1], $0x4000, $0x38;
	[tilespmem:$0x1D000] =	vst v63  }
0x2e: {  	_ =	swait.ge [sflag:s14], $0x4000  }
0x2f: {  	[sflag:s14] =	ssyncset.done $0x0  }
0x30: {  	[sflag:s14] =	ssyncadd.s32 $0xFFFFC000  }
0x31: {  	[spmem:s11] =	stream.linear.scatter [tilespmem:s13], [sflag:$0x1], $0x4000, $0x38;
	[tilespmem:$0x1D000] =	vst v63  }
0x32: {  	_ =	swait.ge [sflag:s14], $0x4000  }
0x33: {  	[sflag:s14] =	ssyncset.done $0x0  }
0x34: {  	s29 =	simm.s32 $0x0;
	[sflag:s14] =	ssyncadd.s32 $0xFFFFC000  }
0x35: {  	[tilespmem:s29], [sflag:$0x1] =	stream.linear.gather [hbm4b:s5+s29], $0x2780, $0x38;
	[tilespmem:$0x1D000] =	vst v63  }
0x36: {  	_ =	swait.ge [sflag:s14], $0x2780  }
0x37: {  	[sflag:s14] =	ssyncset.done $0x0  }
0x38: {  	[sflag:s14] =	ssyncadd.s32 $0xFFFFD880  }
0x39: {  	[tilespmem:s15], [sflag:$0x1] =	stream.linear.gather [hbm4b:s6+s29], $0x2780, $0x38;
	[tilespmem:$0x1D000] =	vst v63  }
0x3a: {  	_ =	swait.ge [sflag:s14], $0x2780  }
0x3b: {  	[sflag:s14] =	ssyncset.done $0x0  }
0x3c: {  	[sflag:s14] =	ssyncadd.s32 $0xFFFFD880  }
0x3d: {  	s30 =	simm.s32 $0x0;
	[bflag:$0x0] =	sbarrier.arrive $0xFFFF  }
0x3e: {  	[tilespmem:s13], [sflag:$0x1] =	stream.indirect.gather [hbm4b:s12+s16], $0x80, s30, s16, $0xb8;
	[tilespmem:$0x1D000] =	vst v63  }
0x3f: {  	_ =	swait.ge [sflag:s14], $0x4000  }
0x40: {  	[sflag:s14] =	ssyncset.done $0x0  }
0x41: {  	s31 =	simm.s32 $0x2800;
	[sflag:s14] =	ssyncadd.s32 $0xFFFFC000  }
0x42: {  	[spmem:s2] =	stream.indirect.scatter.add.f32 [tilespmem:s13], [sflag:$0x1], $0x80, s31, s16, $0xb8;
	[tilespmem:$0x1D000] =	vst v63  }
0x43: {  	_ =	swait.ge [sflag:s14], $0x4000  }
0x44: {  	s20 =	simm.s32 $0x200;
	s21 =	simm.s32 $0x400;
	[sflag:s14] =	ssyncset.done $0x0  }
.LBB2_4:
0x45: {  	s22 =	sshra.s32 s20, $0x2  }
0x46: {  	[sflag:s14] =	ssyncadd.s32 $0xFFFFC000;
	s20 =	smov.u32 s21;
	s23 =	sadd.s32 $0x200, s21  }
0x47: {  	[tilespmem:s13], [sflag:$0x1] =	stream.indirect.gather [hbm4b:s12+s16], $0x80, s22, s16, $0xb8;
	[tilespmem:$0x1D000] =	vst v63  }
0x48: {  	p0 =	sne.s32 s21, $0x9C00;
	_ =	swait.ge [sflag:s14], $0x4000  }
.Ltmp1:
0x49: {  	[sflag:s14] =	ssyncset.done $0x0;
	(pc) =	sbr.rel @p0 .LBB2_4-.Ltmp1, $4  }
0x4a: {  	s21 =	sadd.s32 $0x2800, s22;
	[sflag:s14] =	ssyncadd.s32 $0xFFFFC000  }
0x4b: {  	[spmem:s2] =	stream.indirect.scatter.add.f32 [tilespmem:s13], [sflag:$0x1], $0x80, s21, s16, $0xb8;
	[tilespmem:$0x1D000] =	vst v63  }
0x4c: {  	_ =	swait.ge [sflag:s14], $0x4000  }
0x4d: {  	s21 =	smov.u32 s23;
	[sflag:s14] =	ssyncset.done $0x0  }
0x4e: {  	s20 =	sshra.s32 s20, $0x2;
	[sflag:s14] =	ssyncadd.s32 $0xFFFFC000  }
0x4f: {  	[tilespmem:s13], [sflag:$0x1] =	stream.indirect.gather [hbm4b:s12+s16], $0x80, s20, s16, $0xb8;
	[tilespmem:$0x1D000] =	vst v63  }
0x50: {  	_ =	swait.ge [sflag:s14], $0x4000  }
0x51: {  	[sflag:s14] =	ssyncset.done $0x0  }
0x52: {  	s20 =	sadd.s32 $0x2800, s20;
	[sflag:s14] =	ssyncadd.s32 $0xFFFFC000  }
0x53: {  	[spmem:s2] =	stream.indirect.scatter.add.f32 [tilespmem:s13], [sflag:$0x1], $0x80, s20, s16, $0xb8;
	[tilespmem:$0x1D000] =	vst v63  }
0x54: {  	_ =	swait.ge [sflag:s14], $0x4000  }
0x55: {  	s3 =	sadd.s32 $0x1, s3;
	[sflag:s14] =	ssyncset.done $0x0  }
0x56: {  	p0 =	sne.s32 s3, s7;
	[sflag:s14] =	ssyncadd.s32 $0xFFFFC000  }
.Ltmp2:
0x57: {  	[bflag:$0x0] =	sbarrier.arrive $0xFFFF;
	(pc) =	sbr.rel @p0 .LBB2_1-.Ltmp2, $4  }
0x58: {  	[hbm:s17], [sflag:s18] =	dma.local [spmem:s19], $0x2800  }
0x59: {  	_ =	swait.ge [sflag:s14], $0x2800  }
0x5a: {  	[sflag:s14] =	ssyncset.done $0x0  }
0x5b: {  	[sflag:s14] =	ssyncadd.s32 $0xFFFFD800  }
0x5c: {  	_ =	sfence.sel $0x180000  }
0x5d: {  	[bflag:$0x0] =	sbarrier.arrive $0xFFFF  }
0x5e: {  	p0 =	sne.s32 s1, $0x0;
	_ =	strace $0x90000050  }
0x5f: {  	s0 =	sadd.s32 @!p0 $0x100000, s0;
	[bflag:$0x2] =	sbarrier.arrive $0xFFFF  }
0x60: {  	[sflag:s0] =	ssyncadd.tile.s32 @!p0 $0x1;
	_ =	shalt  }
.Lfunc_end2:
_tile_overlayer_lowered:
.L_overlay_start_2:
0x61: {  	(tag) =	ssettag $0x2  }
0x62: {  	s0 =	rddreg [dreg:$0x0];
	s2 =	stileid.u32  }
0x63: {  	s1 =	rddreg [dreg:$0x1];
	p0 =	sne.s32 s2, $0x0  }
0x64: {  	s3 =	rddreg [dreg:$0x2];
	[bflag:$0x3] =	sbarrier.arrive $0xFFFF;
	s2 =	simm.s32 @!p0 $0x1C01  }
0x65: {  	[timem:s3], [sflag:s2] =	dma.local @!p0 [hbm:s0], s1  }
0x66: {  	s0 =	simm.s32 @!p0 $0x1  }
0x67: {  	_ =	swait.ge @!p0 [sflag:s0], s1  }
0x68: {  	s1 =	ssub.s32 @!p0 $0x0, s1;
	[sflag:s0] =	ssyncset.done @!p0 $0x0  }
0x69: {  	[sflag:s0] =	ssyncadd.s32 @!p0 s1  }
0x6a: {  	[bflag:$0x3] =	sbarrier.arrive $0xFFFF  }
0x6b: {  	_ =	shalt  }

// kernel: kernel.18.cloned.1.call-start
scs
__scs_entry_jumppad:
0x0: {  	(pc) =	sbr.rel $0x88, $3  }
0x1: {  	(tag) =	ssettag $0x0;
	lr =	simm.s32 $0x1  }
0x2: {  	[smem:$0x3F96] =	sst lr;
	_ =	strace $0xD0000000  }
0x3: {  	_ = 	snop  }
0x4: {  	_ = 	snop  }
0x5: {  	_ = 	snop  }
0x6: {  	_ = 	snop  }
0x7: {  	_ = 	snop  }
__scs_overlays_trampoline_lowered:
0x8: {  	[smem:$0x3FA5] =	sst s0  }
0x9: {  	[smem:$0x3FA6] =	sst s1  }
0xa: {  	[smem:$0x3FA7] =	sst s2  }
0xb: {  	[smem:$0x3FA8] =	sst s3  }
0xc: {  	[smem:$0x3FA9] =	sst s4  }
0xd: {  	[smem:$0x3FAA] =	sst s5  }
0xe: {  	[smem:$0x3FAB] =	sst s6  }
0xf: {  	[smem:$0x3FAC] =	sst s7  }
0x10: {  	[smem:$0x3FAD] =	sst s8  }
0x11: {  	[smem:$0x3FAE] =	sst s9;
	s0 =	simm.s32 @!p0 $0x0  }
0x12: {  	s1 =	sld [smem:$0x3F94];
	s0 =	simm.s32 @p0 $0x1  }
0x13: {  	[smem:$0x3FAF] =	sst s0;
	s0 =	simm.s32 @!p1 $0x0  }
0x14: {  	s2 =	sld [smem:$0x3F93];
	s0 =	simm.s32 @p1 $0x1  }
0x15: {  	[smem:$0x3FB0] =	sst s0;
	s0 =	simm.s32 @!p2 $0x0  }
0x16: {  	s3 =	sld [smem:$0x3FDB];
	s0 =	simm.s32 @p2 $0x1  }
0x17: {  	s4 =	simm.s32 $0x1BF5;
	[smem:$0x3FB2] =	sst s0  }
0x18: {  	s0 =	sld [smem:$0x3F95];
	_ =	swait.ge [sflag:s4], $0x0  }
0x19: {  	s7 =	sld [smem:$0x3F96]  }
0x1a: {  	s8 =	sadd.s32 $0xFFFFE003, lr  }
0x1b: {  	s9 =	sadd.s32 $0xFFFFFEF7, lr;
	s5 =	simm.s32 $0xFFFFFFFF;
	p2 =	slt.u32 s8, $0xFFFFF086  }
0x1c: {  	p1 =	slt.u32 s9, $0xF7A;
	s5 =	simm.s32 @!p2 $0x0  }
0x1d: {  	s5 =	simm.s32 @p1 $0x1;
	p0 =	seq.s32 s7, s2  }
0x1e: {  	s7 =	smul.u32 @!p0 $0xF7A, s2;
	p2 =	seq.s32 @!p0 s5, $0x0  }
0x1f: {  	s9 =	smul.u32 $0xF7A, s1;
	s8 =	simm.s32 @!p0 $0x1BF5;
	p2 =	por !p2, p0  }
0x20: {  	[sflag:s8] =	ssyncset.s32 @!p0 $0xFFFFF086;
	s6 =	sadd.s32 @!p0 s3, s7;
	s7 =	simm.s32 @!p0 $0x108  }
0x21: {  	s3 =	sadd.s32 s3, s9;
	s6 =	sadd.s32 @!p0 $0x88, s6;
	s7 =	simm.s32 @p2 $0x1082  }
0x22: {  	[simem:s7], [sflag:s8] =	dma.local @!p0 [hbm:s6], $0xF7A  }
0x23: {  	s9 =	sor.u32 $0xD0000000, s2;
	s6 =	simm.s32 $0x108;
	_ =	swait.ge @!p0 [sflag:s8], $0x0  }
0x24: {  	s3 =	sadd.s32 $0x88, s3;
	s6 =	simm.s32 @!p1 $0x1082;
	[sflag:s4] =	ssyncset.s32 $0xFFFFF086  }
0x25: {  	[simem:s6], [sflag:s4] =	dma.local [hbm:s3], $0xF7A  }
0x26: {  	[smem:$0x3F96] =	sst s1;
	(tag) =	ssettag s2;
	_ =	strace s9  }
0x27: {  	s1 =	sld [smem:$0x3FA6]  }
0x28: {  	s2 =	sld [smem:$0x3FA7]  }
0x29: {  	s4 =	sld [smem:$0x3FA9]  }
0x2a: {  	p0 =	seq.s32 s5, $0x0;
	s5 =	sld [smem:$0x3FAA]  }
0x2b: {  	s6 =	sld [smem:$0x3FAB]  }
0x2c: {  	s7 =	sld [smem:$0x3FAC]  }
0x2d: {  	s3 =	simm.s32 $0x108;
	s8 =	sld [smem:$0x3FAD]  }
0x2e: {  	s3 =	simm.s32 @!p0 $0x1082;
	s9 =	sld [smem:$0x3FAE]  }
0x2f: {  	lr =	sadd.s32 s0, s3;
	s0 =	sld [smem:$0x3FA5]  }
0x30: {  	s3 =	sld [smem:$0x3FA8]  }
0x31: {  	[smem:$0x3FB1] =	sst s10  }
0x32: {  	s10 =	sld [smem:$0x3FAF];
	_ =	sdelay $0x3  }
0x33: {  	p0 =	seq.s32 s10, $0x1;
	s10 =	sld [smem:$0x3FB1];
	_ =	sdelay $0x3  }
0x34: {  	[smem:$0x3FB1] =	sst s10  }
0x35: {  	s10 =	sld [smem:$0x3FB0];
	_ =	sdelay $0x3  }
0x36: {  	p1 =	seq.s32 s10, $0x1;
	s10 =	sld [smem:$0x3FB1];
	_ =	sdelay $0x3  }
0x37: {  	[smem:$0x3FB1] =	sst s10  }
0x38: {  	s10 =	sld [smem:$0x3FB2]  }
0x39: {  	_ = 	snop;
	(pc) =	sbr.ind lr, $3  }
0x3a: {  	_ = 	snop  }
0x3b: {  	_ = 	snop  }
0x3c: {  	p2 =	seq.s32 s10, $0x1;
	s10 =	sld [smem:$0x3FB1]  }
0x3d: {  	_ =	shalt  }
0x3e: {  	_ =	shalt  }
0x3f: {  	_ =	shalt  }
0x40: {  	_ =	shalt  }
0x41: {  	_ =	shalt  }
0x42: {  	_ =	shalt  }
0x43: {  	_ =	shalt  }
0x44: {  	_ =	shalt  }
0x45: {  	_ =	shalt  }
0x46: {  	_ =	shalt  }
0x47: {  	_ =	shalt  }
0x48: {  	_ =	shalt  }
0x49: {  	_ =	shalt  }
0x4a: {  	_ =	shalt  }
0x4b: {  	_ =	shalt  }
0x4c: {  	_ =	shalt  }
0x4d: {  	_ =	shalt  }
0x4e: {  	_ =	shalt  }
0x4f: {  	_ =	shalt  }
0x50: {  	_ =	shalt  }
0x51: {  	_ =	shalt  }
0x52: {  	_ =	shalt  }
0x53: {  	_ =	shalt  }
0x54: {  	_ =	shalt  }
0x55: {  	_ =	shalt  }
0x56: {  	_ =	shalt  }
0x57: {  	_ =	shalt  }
0x58: {  	_ =	shalt  }
0x59: {  	_ =	shalt  }
0x5a: {  	_ =	shalt  }
0x5b: {  	_ =	shalt  }
0x5c: {  	_ =	shalt  }
0x5d: {  	_ =	shalt  }
0x5e: {  	_ =	shalt  }
0x5f: {  	_ =	shalt  }
0x60: {  	_ =	shalt  }
0x61: {  	_ =	shalt  }
0x62: {  	_ =	shalt  }
0x63: {  	_ =	shalt  }
0x64: {  	_ =	shalt  }
0x65: {  	_ =	shalt  }
0x66: {  	_ =	shalt  }
0x67: {  	_ =	shalt  }
0x68: {  	_ =	shalt  }
0x69: {  	_ =	shalt  }
0x6a: {  	_ =	shalt  }
0x6b: {  	_ =	shalt  }
0x6c: {  	_ =	shalt  }
0x6d: {  	_ =	shalt  }
0x6e: {  	_ =	shalt  }
0x6f: {  	_ =	shalt  }
0x70: {  	_ =	shalt  }
0x71: {  	_ =	shalt  }
0x72: {  	_ =	shalt  }
0x73: {  	_ =	shalt  }
0x74: {  	_ =	shalt  }
0x75: {  	_ =	shalt  }
0x76: {  	_ =	shalt  }
0x77: {  	_ =	shalt  }
0x78: {  	_ =	shalt  }
0x79: {  	_ =	shalt  }
0x7a: {  	_ =	shalt  }
0x7b: {  	_ =	shalt  }
0x7c: {  	_ =	shalt  }
0x7d: {  	_ =	shalt  }
0x7e: {  	_ =	shalt  }
0x7f: {  	_ =	shalt  }
0x80: {  	_ =	shalt  }
0x81: {  	_ =	shalt  }
0x82: {  	_ =	shalt  }
0x83: {  	_ =	shalt  }
0x84: {  	_ =	shalt  }
0x85: {  	_ =	shalt  }
0x86: {  	_ =	shalt  }
0x87: {  	_ =	shalt  }
.Lfunc_end0:
.L_simem_size_0:
called_computation.3_lowered:
.L_overlay_start_0:
0x88: {  	s2 =	sld [smem:$0x3FD9]  }
0x89: {  	s3 =	sld [smem:$0x3FFE];
	_ =	sdelay $0x1  }
0x8a: {  	s1 =	srdreg.scid  }
0x8b: {  	s0 =	sand.u32 $0x1, s1  }
0x8c: {  	s16 =	sshll.u32 s0, $0xA;
	s2 =	sadd.s32 s3, s2  }
0x8d: {  	s2 =	sadd.s32 s2, s16  }
0x8e: {  	[smem:$0x3FBD] =	sst s2  }
0x8f: {  	_ = 	snop  }
0x90: {  	(tm) =	ssettm $0x1  }
0x91: {  	s17 =	sld [smem:$0x3FFB];
	_ =	sdelay $0x3  }
0x92: {  	_ =	strace s17  }
0x93: {  	s2 =	sld [smem:$0x3FFC];
	_ =	sdelay $0x3  }
0x94: {  	_ =	strace s2  }
0x95: {  	s2 =	sld [smem:$0x3FFD];
	_ =	sdelay $0x3  }
0x96: {  	_ =	strace s2  }
0x97: {  	_ =	strace $0x8FFFFFFF  }
0x98: {  	s18 =	sld [smem:$0x3FDB];
	_ =	sdelay $0x1  }
0x99: {  	s19 =	simm.s32 $_scs_section_size  }
0x9a: {  	s4 =	simm.s32 $_size__tile_overlayer_lowered;
	s5 =	simm.s32 $_tile_overlayer_lowered  }
0x9b: {  	s22 =	simm.s32 $0x1BFF;
	s21 =	sshll.u32 s5, $0x1;
	s2 =	sadd.s32 s19, s18  }
0x9c: {  	s6 =	simm.s32 $0x0;
	s20 =	sshll.u32 s4, $0x1;
	s4 =	sadd.s32 s21, s2  }
0x9d: {  	[timem:s6], [sflag:s22] =	dma.local [hbm:s4], s20  }
0x9e: {  	_ =	swait.ge [sflag:s22], s20  }
0x9f: {  	s3 =	ssub.s32 $0x0, s20;
	[sflag:s22] =	ssyncset.done $0x0  }
0xa0: {  	[sflag:s22] =	ssyncadd.s32 s3;
	_ =	sdelay $0x1  }
0xa1: {  	s23 =	simm.s32 $0x1B8B  }
0xa2: {  	_ =	swait.ge [sflag:s23], $0x1  }
0xa3: {  	[sflag:s23] =	ssyncset.done $0x0  }
0xa4: {  	s25 =	simm.s32 $0x1B8E;
	s24 =	sld [smem:$0x3FFE];
	[sflag:s23] =	ssyncadd.s32 $0xFFFFFFFF  }
0xa5: {  	s26 =	simm.s32 $execute0_lowered;
	[smem:$0x3FD2] =	sst s25  }
0xa6: {  	s4 =	sshll.u32 s26, $0x1;
	_ =	strace $0x8000004C;
	[dreg:$0x1] =	wrdreg $0xFFFFFFFF  }
0xa7: {  	s28 =	simm.s32 $_size_execute0_lowered;
	s2 =	sadd.s32 s2, s4;
	[dreg:$0x0] =	wrdreg $0x0  }
0xa8: {  	s4 =	sshll.u32 s28, $0x1;
	[dreg:$0x2] =	wrdreg s2  }
0xa9: {  	[dreg:$0x3] =	wrdreg s4  }
0xaa: {  	[dreg:$0x4] =	wrdreg $0xC0  }
0xab: {  	_ =	task [dreg:s6], $0x5FFFF  }
0xac: {  	[dreg:$0x1] =	wrdreg $0xFFFFFFFF  }
0xad: {  	[dreg:$0x0] =	wrdreg $0x60  }
0xae: {  	[dreg:$0x2] =	wrdreg s24  }
0xaf: {  	[dreg:$0x3] =	wrdreg $0x90000  }
0xb0: {  	[dreg:$0x4] =	wrdreg $0xA  }
0xb1: {  	_ =	task.clear_ibuf [dreg:s6], $0x5FFFF;
	_ =	strace $0x9000004C  }
0xb2: {  	s29 =	simm.s32 $0xA;
	_ =	strace $0x8000004E  }
0xb3: {  	_ =	swait.ge [sflag:s29], $0x1  }
0xb4: {  	[sflag:s29] =	ssyncadd.s32 $0xFFFFFFFF  }
0xb5: {  	_ =	strace $0x9000004E  }
0xb6: {  	_ =	sfence  }
0xb7: {  	s30 =	sld [smem:$0x0];
	_ =	sdelay $0x2  }
0xb8: {  	s31 =	sshll.u32 s1, $0xD;
	s1 =	sshrl.u32 s1, $0x2  }
0xb9: {  	s3 =	sand.u32 $0x4000, s31;
	s1 =	sadd.s32 s1, s30  }
0xba: {  	s0 =	sor.u32 s3, s0;
	s1 =	sshll.u32 s1, $0x11  }
0xbb: {  	s0 =	sor.u32 s1, s0  }
0xbc: {  	s0 =	sadd.s32 $0x8F2B, s0  }
0xbd: {  	[sflag:s0] =	ssyncadd.remote.s32 $0x1  }
0xbe: {  	_ =	sfence.sel $0xFFFF  }
0xbf: {  	[dreg:$0x0] =	wrdreg $0xFFFFFFFF;
	(pc) =	sbr.abs _section_cstart, $3  }
0xc0: {  	[dreg:$0x1] =	wrdreg $0xFFFFFFFF  }
0xc1: {  	_ =	task.clear_ibuf [dreg:s6], $0x2FFFF;
	_ =	strace $0x9FFFFFFF  }
0xc2: {  	(tm) =	ssettm $0x7FFFFFFF  }
0xc3: {  	_ =	shalt  }
tec
execute0_lowered:
.L_overlay_start_1:
0x0: {  	(tag) =	ssettag $0x1  }
0x1: {  	s12 =	rddreg [dreg:$0x0]  }
0x2: {  	s2 =	rddreg [dreg:$0x1]  }
0x3: {  	s0 =	rddreg [dreg:$0x2];
	s1 =	stileid.u32  }
0x4: {  	s3 =	simm.s32 $0x0;
	s5 =	srdreg.scid;
	s13 =	simm.s32 $0x4400  }
0x5: {  	s14 =	simm.s32 $0x1;
	s15 =	simm.s32 $0x2800;
	s4 =	smul.u32 $0x500, s1  }
0x6: {  	s16 =	simm.s32 $0x80;
	[smem:$0x7FF] =	sst s3;
	s30 =	smul.u32 $0x50000, s1  }
0x7: {  	s7 =	sand.u32 $0x1, s5;
	s18 =	smul.u32 $0x2800, s1;
	s19 =	sshll.u32 s1, $0x6  }
0x8: {  	_ =	strace $0x8000004D;
	s6 =	smul.u32 $0x28000, s7;
	s8 =	ssub.s32 $0x2, s7  }
0x9: {  	p0 =	seq.s32 s7, $0x0;
	s9 =	sadd.s32 s4, s12;
	s31 =	sshrl.u32 s8, $0x1  }
0xa: {  	s5 =	sshrl.u32 s30, $0x2;
	s13 =	simm.s32 @!p0 $0x40400;
	s10 =	sadd.s32 s6, s12  }
0xb: {  	s8 =	ssub.s32 s8, s31;
	s4 =	sadd.s32 s5, s2;
	s5 =	sadd.s32 $0x3B400, s9  }
0xc: {  	s6 =	sadd.s32 $0x36400, s9;
	s12 =	sadd.s32 s13, s12;
	s13 =	simm.s32 $0x5000  }
0xd: {  	s17 =	sadd.s32 $0x68400, s10;
	s7 =	smax.u32 s8, $0x1;
	s8 =	sadd.s32 $0x4000, s4  }
0xe: {  	s9 =	sadd.s32 $0x8000, s4;
	s10 =	sadd.s32 $0xC000, s4;
	s11 =	sadd.s32 $0x10000, s4  }
0xf: {  	v0 =	vimm.f32 $0.0e+00;
	s17 =	sadd.s32 s18, s17;
	s18 =	sor.u32 $0x1C01, s19;
	s19 =	sshrl.u32 s4, $0x3  }
.LBB2_1:
0x10: {  	s20 =	simm.s32 $0x0;
	s21 =	simm.s32 $0x200  }
.LBB2_2:
0x11: {  	p0 =	sne.s32 s21, $0xFE00;
	[tilespmem:s20+$0x5070] =	vst v0  }
0x12: {  	[tilespmem:s20+$0x5000] =	vst v0  }
0x13: {  	[tilespmem:s20+$0x5010] =	vst v0  }
.Ltmp0:
0x14: {  	[tilespmem:s20+$0x5020] =	vst v0;
	(pc) =	sbr.rel @p0 .LBB2_2-.Ltmp0, $4  }
0x15: {  	[tilespmem:s20+$0x5030] =	vst v0  }
0x16: {  	[tilespmem:s20+$0x5040] =	vst v0  }
0x17: {  	[tilespmem:s20+$0x5050] =	vst v0  }
0x18: {  	[tilespmem:s20+$0x5060] =	vst v0;
	s20 =	sshra.s32 s21, $0x2;
	s21 =	sadd.s32 $0x200, s21  }
0x19: {  	[tilespmem:s20+$0x5070] =	vst v0  }
0x1a: {  	[tilespmem:s20+$0x5000] =	vst v0  }
0x1b: {  	[tilespmem:s20+$0x5010] =	vst v0  }
0x1c: {  	[tilespmem:s20+$0x5020] =	vst v0  }
0x1d: {  	[tilespmem:s20+$0x5030] =	vst v0  }
0x1e: {  	[tilespmem:s20+$0x5040] =	vst v0  }
0x1f: {  	[tilespmem:s20+$0x5050] =	vst v0  }
0x20: {  	[tilespmem:s20+$0x5060] =	vst v0  }
0x21: {  	[spmem:s4] =	stream.linear.scatter [tilespmem:s13], [sflag:$0x1], $0x4000, $0x38;
	[tilespmem:$0x1D000] =	vst v63  }
0x22: {  	_ =	swait.ge [sflag:s14], $0x4000  }
0x23: {  	[sflag:s14] =	ssyncset.done $0x0  }
0x24: {  	[sflag:s14] =	ssyncadd.s32 $0xFFFFC000  }
0x25: {  	[spmem:s8] =	stream.linear.scatter [tilespmem:s13], [sflag:$0x1], $0x4000, $0x38;
	[tilespmem:$0x1D000] =	vst v63  }
0x26: {  	_ =	swait.ge [sflag:s14], $0x4000  }
0x27: {  	[sflag:s14] =	ssyncset.done $0x0  }
0x28: {  	[sflag:s14] =	ssyncadd.s32 $0xFFFFC000  }
0x29: {  	[spmem:s9] =	stream.linear.scatter [tilespmem:s13], [sflag:$0x1], $0x4000, $0x38;
	[tilespmem:$0x1D000] =	vst v63  }
0x2a: {  	_ =	swait.ge [sflag:s14], $0x4000  }
0x2b: {  	[sflag:s14] =	ssyncset.done $0x0  }
0x2c: {  	[sflag:s14] =	ssyncadd.s32 $0xFFFFC000  }
0x2d: {  	[spmem:s10] =	stream.linear.scatter [tilespmem:s13], [sflag:$0x1], $0x4000, $0x38;
	[tilespmem:$0x1D000] =	vst v63  }
0x2e: {  	_ =	swait.ge [sflag:s14], $0x4000  }
0x2f: {  	[sflag:s14] =	ssyncset.done $0x0  }
0x30: {  	[sflag:s14] =	ssyncadd.s32 $0xFFFFC000  }
0x31: {  	[spmem:s11] =	stream.linear.scatter [tilespmem:s13], [sflag:$0x1], $0x4000, $0x38;
	[tilespmem:$0x1D000] =	vst v63  }
0x32: {  	_ =	swait.ge [sflag:s14], $0x4000  }
0x33: {  	[sflag:s14] =	ssyncset.done $0x0  }
0x34: {  	s29 =	simm.s32 $0x0;
	[sflag:s14] =	ssyncadd.s32 $0xFFFFC000  }
0x35: {  	[tilespmem:s29], [sflag:$0x1] =	stream.linear.gather [hbm4b:s5+s29], $0x2780, $0x38;
	[tilespmem:$0x1D000] =	vst v63  }
0x36: {  	_ =	swait.ge [sflag:s14], $0x2780  }
0x37: {  	[sflag:s14] =	ssyncset.done $0x0  }
0x38: {  	[sflag:s14] =	ssyncadd.s32 $0xFFFFD880  }
0x39: {  	[tilespmem:s15], [sflag:$0x1] =	stream.linear.gather [hbm4b:s6+s29], $0x2780, $0x38;
	[tilespmem:$0x1D000] =	vst v63  }
0x3a: {  	_ =	swait.ge [sflag:s14], $0x2780  }
0x3b: {  	[sflag:s14] =	ssyncset.done $0x0  }
0x3c: {  	[sflag:s14] =	ssyncadd.s32 $0xFFFFD880  }
0x3d: {  	s30 =	simm.s32 $0x0;
	[bflag:$0x0] =	sbarrier.arrive $0xFFFF  }
0x3e: {  	[tilespmem:s13], [sflag:$0x1] =	stream.indirect.gather [hbm4b:s12+s16], $0x80, s30, s16, $0xb8;
	[tilespmem:$0x1D000] =	vst v63  }
0x3f: {  	_ =	swait.ge [sflag:s14], $0x4000  }
0x40: {  	[sflag:s14] =	ssyncset.done $0x0  }
0x41: {  	s31 =	simm.s32 $0x2800;
	[sflag:s14] =	ssyncadd.s32 $0xFFFFC000  }
0x42: {  	[spmem:s2] =	stream.indirect.scatter.add.f32 [tilespmem:s13], [sflag:$0x1], $0x80, s31, s16, $0xb8;
	[tilespmem:$0x1D000] =	vst v63  }
0x43: {  	_ =	swait.ge [sflag:s14], $0x4000  }
0x44: {  	s20 =	simm.s32 $0x200;
	s21 =	simm.s32 $0x400;
	[sflag:s14] =	ssyncset.done $0x0  }
.LBB2_4:
0x45: {  	s22 =	sshra.s32 s20, $0x2  }
0x46: {  	[sflag:s14] =	ssyncadd.s32 $0xFFFFC000;
	s20 =	smov.u32 s21;
	s23 =	sadd.s32 $0x200, s21  }
0x47: {  	[tilespmem:s13], [sflag:$0x1] =	stream.indirect.gather [hbm4b:s12+s16], $0x80, s22, s16, $0xb8;
	[tilespmem:$0x1D000] =	vst v63  }
0x48: {  	p0 =	sne.s32 s21, $0x9C00;
	_ =	swait.ge [sflag:s14], $0x4000  }
.Ltmp1:
0x49: {  	[sflag:s14] =	ssyncset.done $0x0;
	(pc) =	sbr.rel @p0 .LBB2_4-.Ltmp1, $4  }
0x4a: {  	s21 =	sadd.s32 $0x2800, s22;
	[sflag:s14] =	ssyncadd.s32 $0xFFFFC000  }
0x4b: {  	[spmem:s2] =	stream.indirect.scatter.add.f32 [tilespmem:s13], [sflag:$0x1], $0x80, s21, s16, $0xb8;
	[tilespmem:$0x1D000] =	vst v63  }
0x4c: {  	_ =	swait.ge [sflag:s14], $0x4000  }
0x4d: {  	s21 =	smov.u32 s23;
	[sflag:s14] =	ssyncset.done $0x0  }
0x4e: {  	s20 =	sshra.s32 s20, $0x2;
	[sflag:s14] =	ssyncadd.s32 $0xFFFFC000  }
0x4f: {  	[tilespmem:s13], [sflag:$0x1] =	stream.indirect.gather [hbm4b:s12+s16], $0x80, s20, s16, $0xb8;
	[tilespmem:$0x1D000] =	vst v63  }
0x50: {  	_ =	swait.ge [sflag:s14], $0x4000  }
0x51: {  	[sflag:s14] =	ssyncset.done $0x0  }
0x52: {  	s20 =	sadd.s32 $0x2800, s20;
	[sflag:s14] =	ssyncadd.s32 $0xFFFFC000  }
0x53: {  	[spmem:s2] =	stream.indirect.scatter.add.f32 [tilespmem:s13], [sflag:$0x1], $0x80, s20, s16, $0xb8;
	[tilespmem:$0x1D000] =	vst v63  }
0x54: {  	_ =	swait.ge [sflag:s14], $0x4000  }
0x55: {  	s3 =	sadd.s32 $0x1, s3;
	[sflag:s14] =	ssyncset.done $0x0  }
0x56: {  	p0 =	sne.s32 s3, s7;
	[sflag:s14] =	ssyncadd.s32 $0xFFFFC000  }
.Ltmp2:
0x57: {  	[bflag:$0x0] =	sbarrier.arrive $0xFFFF;
	(pc) =	sbr.rel @p0 .LBB2_1-.Ltmp2, $4  }
0x58: {  	[hbm:s17], [sflag:s18] =	dma.local [spmem:s19], $0x2800  }
0x59: {  	_ =	swait.ge [sflag:s14], $0x2800  }
0x5a: {  	[sflag:s14] =	ssyncset.done $0x0  }
0x5b: {  	[sflag:s14] =	ssyncadd.s32 $0xFFFFD800  }
0x5c: {  	_ =	sfence.sel $0x180000  }
0x5d: {  	[bflag:$0x0] =	sbarrier.arrive $0xFFFF  }
0x5e: {  	p0 =	sne.s32 s1, $0x0;
	_ =	strace $0x9000004D  }
0x5f: {  	s0 =	sadd.s32 @!p0 $0x100000, s0;
	[bflag:$0x2] =	sbarrier.arrive $0xFFFF  }
0x60: {  	[sflag:s0] =	ssyncadd.tile.s32 @!p0 $0x1;
	_ =	shalt  }
.Lfunc_end2:
_tile_overlayer_lowered:
.L_overlay_start_2:
0x61: {  	(tag) =	ssettag $0x2  }
0x62: {  	s0 =	rddreg [dreg:$0x0];
	s2 =	stileid.u32  }
0x63: {  	s1 =	rddreg [dreg:$0x1];
	p0 =	sne.s32 s2, $0x0  }
0x64: {  	s3 =	rddreg [dreg:$0x2];
	[bflag:$0x3] =	sbarrier.arrive $0xFFFF;
	s2 =	simm.s32 @!p0 $0x1C01  }
0x65: {  	[timem:s3], [sflag:s2] =	dma.local @!p0 [hbm:s0], s1  }
0x66: {  	s0 =	simm.s32 @!p0 $0x1  }
0x67: {  	_ =	swait.ge @!p0 [sflag:s0], s1  }
0x68: {  	s1 =	ssub.s32 @!p0 $0x0, s1;
	[sflag:s0] =	ssyncset.done @!p0 $0x0  }
0x69: {  	[sflag:s0] =	ssyncadd.s32 @!p0 s1  }
0x6a: {  	[bflag:$0x3] =	sbarrier.arrive $0xFFFF  }
0x6b: {  	_ =	shalt  }

// kernel: kernel.9.cloned.1.call-start
scs
__scs_entry_jumppad:
0x0: {  	(pc) =	sbr.rel $0x88, $3  }
0x1: {  	(tag) =	ssettag $0x0;
	lr =	simm.s32 $0x1  }
0x2: {  	[smem:$0x3F96] =	sst lr;
	_ =	strace $0xD0000000  }
0x3: {  	_ = 	snop  }
0x4: {  	_ = 	snop  }
0x5: {  	_ = 	snop  }
0x6: {  	_ = 	snop  }
0x7: {  	_ = 	snop  }
__scs_overlays_trampoline_lowered:
0x8: {  	[smem:$0x3FA5] =	sst s0  }
0x9: {  	[smem:$0x3FA6] =	sst s1  }
0xa: {  	[smem:$0x3FA7] =	sst s2  }
0xb: {  	[smem:$0x3FA8] =	sst s3  }
0xc: {  	[smem:$0x3FA9] =	sst s4  }
0xd: {  	[smem:$0x3FAA] =	sst s5  }
0xe: {  	[smem:$0x3FAB] =	sst s6  }
0xf: {  	[smem:$0x3FAC] =	sst s7  }
0x10: {  	[smem:$0x3FAD] =	sst s8  }
0x11: {  	[smem:$0x3FAE] =	sst s9;
	s0 =	simm.s32 @!p0 $0x0  }
0x12: {  	s1 =	sld [smem:$0x3F94];
	s0 =	simm.s32 @p0 $0x1  }
0x13: {  	[smem:$0x3FAF] =	sst s0;
	s0 =	simm.s32 @!p1 $0x0  }
0x14: {  	s2 =	sld [smem:$0x3F93];
	s0 =	simm.s32 @p1 $0x1  }
0x15: {  	[smem:$0x3FB0] =	sst s0;
	s0 =	simm.s32 @!p2 $0x0  }
0x16: {  	s3 =	sld [smem:$0x3FDB];
	s0 =	simm.s32 @p2 $0x1  }
0x17: {  	s4 =	simm.s32 $0x1BF5;
	[smem:$0x3FB2] =	sst s0  }
0x18: {  	s0 =	sld [smem:$0x3F95];
	_ =	swait.ge [sflag:s4], $0x0  }
0x19: {  	s7 =	sld [smem:$0x3F96]  }
0x1a: {  	s8 =	sadd.s32 $0xFFFFE003, lr  }
0x1b: {  	s9 =	sadd.s32 $0xFFFFFEF7, lr;
	s5 =	simm.s32 $0xFFFFFFFF;
	p2 =	slt.u32 s8, $0xFFFFF086  }
0x1c: {  	p1 =	slt.u32 s9, $0xF7A;
	s5 =	simm.s32 @!p2 $0x0  }
0x1d: {  	s5 =	simm.s32 @p1 $0x1;
	p0 =	seq.s32 s7, s2  }
0x1e: {  	s7 =	smul.u32 @!p0 $0xF7A, s2;
	p2 =	seq.s32 @!p0 s5, $0x0  }
0x1f: {  	s9 =	smul.u32 $0xF7A, s1;
	s8 =	simm.s32 @!p0 $0x1BF5;
	p2 =	por !p2, p0  }
0x20: {  	[sflag:s8] =	ssyncset.s32 @!p0 $0xFFFFF086;
	s6 =	sadd.s32 @!p0 s3, s7;
	s7 =	simm.s32 @!p0 $0x108  }
0x21: {  	s3 =	sadd.s32 s3, s9;
	s6 =	sadd.s32 @!p0 $0x88, s6;
	s7 =	simm.s32 @p2 $0x1082  }
0x22: {  	[simem:s7], [sflag:s8] =	dma.local @!p0 [hbm:s6], $0xF7A  }
0x23: {  	s9 =	sor.u32 $0xD0000000, s2;
	s6 =	simm.s32 $0x108;
	_ =	swait.ge @!p0 [sflag:s8], $0x0  }
0x24: {  	s3 =	sadd.s32 $0x88, s3;
	s6 =	simm.s32 @!p1 $0x1082;
	[sflag:s4] =	ssyncset.s32 $0xFFFFF086  }
0x25: {  	[simem:s6], [sflag:s4] =	dma.local [hbm:s3], $0xF7A  }
0x26: {  	[smem:$0x3F96] =	sst s1;
	(tag) =	ssettag s2;
	_ =	strace s9  }
0x27: {  	s1 =	sld [smem:$0x3FA6]  }
0x28: {  	s2 =	sld [smem:$0x3FA7]  }
0x29: {  	s4 =	sld [smem:$0x3FA9]  }
0x2a: {  	p0 =	seq.s32 s5, $0x0;
	s5 =	sld [smem:$0x3FAA]  }
0x2b: {  	s6 =	sld [smem:$0x3FAB]  }
0x2c: {  	s7 =	sld [smem:$0x3FAC]  }
0x2d: {  	s3 =	simm.s32 $0x108;
	s8 =	sld [smem:$0x3FAD]  }
0x2e: {  	s3 =	simm.s32 @!p0 $0x1082;
	s9 =	sld [smem:$0x3FAE]  }
0x2f: {  	lr =	sadd.s32 s0, s3;
	s0 =	sld [smem:$0x3FA5]  }
0x30: {  	s3 =	sld [smem:$0x3FA8]  }
0x31: {  	[smem:$0x3FB1] =	sst s10  }
0x32: {  	s10 =	sld [smem:$0x3FAF];
	_ =	sdelay $0x3  }
0x33: {  	p0 =	seq.s32 s10, $0x1;
	s10 =	sld [smem:$0x3FB1];
	_ =	sdelay $0x3  }
0x34: {  	[smem:$0x3FB1] =	sst s10  }
0x35: {  	s10 =	sld [smem:$0x3FB0];
	_ =	sdelay $0x3  }
0x36: {  	p1 =	seq.s32 s10, $0x1;
	s10 =	sld [smem:$0x3FB1];
	_ =	sdelay $0x3  }
0x37: {  	[smem:$0x3FB1] =	sst s10  }
0x38: {  	s10 =	sld [smem:$0x3FB2]  }
0x39: {  	_ = 	snop;
	(pc) =	sbr.ind lr, $3  }
0x3a: {  	_ = 	snop  }
0x3b: {  	_ = 	snop  }
0x3c: {  	p2 =	seq.s32 s10, $0x1;
	s10 =	sld [smem:$0x3FB1]  }
0x3d: {  	_ =	shalt  }
0x3e: {  	_ =	shalt  }
0x3f: {  	_ =	shalt  }
0x40: {  	_ =	shalt  }
0x41: {  	_ =	shalt  }
0x42: {  	_ =	shalt  }
0x43: {  	_ =	shalt  }
0x44: {  	_ =	shalt  }
0x45: {  	_ =	shalt  }
0x46: {  	_ =	shalt  }
0x47: {  	_ =	shalt  }
0x48: {  	_ =	shalt  }
0x49: {  	_ =	shalt  }
0x4a: {  	_ =	shalt  }
0x4b: {  	_ =	shalt  }
0x4c: {  	_ =	shalt  }
0x4d: {  	_ =	shalt  }
0x4e: {  	_ =	shalt  }
0x4f: {  	_ =	shalt  }
0x50: {  	_ =	shalt  }
0x51: {  	_ =	shalt  }
0x52: {  	_ =	shalt  }
0x53: {  	_ =	shalt  }
0x54: {  	_ =	shalt  }
0x55: {  	_ =	shalt  }
0x56: {  	_ =	shalt  }
0x57: {  	_ =	shalt  }
0x58: {  	_ =	shalt  }
0x59: {  	_ =	shalt  }
0x5a: {  	_ =	shalt  }
0x5b: {  	_ =	shalt  }
0x5c: {  	_ =	shalt  }
0x5d: {  	_ =	shalt  }
0x5e: {  	_ =	shalt  }
0x5f: {  	_ =	shalt  }
0x60: {  	_ =	shalt  }
0x61: {  	_ =	shalt  }
0x62: {  	_ =	shalt  }
0x63: {  	_ =	shalt  }
0x64: {  	_ =	shalt  }
0x65: {  	_ =	shalt  }
0x66: {  	_ =	shalt  }
0x67: {  	_ =	shalt  }
0x68: {  	_ =	shalt  }
0x69: {  	_ =	shalt  }
0x6a: {  	_ =	shalt  }
0x6b: {  	_ =	shalt  }
0x6c: {  	_ =	shalt  }
0x6d: {  	_ =	shalt  }
0x6e: {  	_ =	shalt  }
0x6f: {  	_ =	shalt  }
0x70: {  	_ =	shalt  }
0x71: {  	_ =	shalt  }
0x72: {  	_ =	shalt  }
0x73: {  	_ =	shalt  }
0x74: {  	_ =	shalt  }
0x75: {  	_ =	shalt  }
0x76: {  	_ =	shalt  }
0x77: {  	_ =	shalt  }
0x78: {  	_ =	shalt  }
0x79: {  	_ =	shalt  }
0x7a: {  	_ =	shalt  }
0x7b: {  	_ =	shalt  }
0x7c: {  	_ =	shalt  }
0x7d: {  	_ =	shalt  }
0x7e: {  	_ =	shalt  }
0x7f: {  	_ =	shalt  }
0x80: {  	_ =	shalt  }
0x81: {  	_ =	shalt  }
0x82: {  	_ =	shalt  }
0x83: {  	_ =	shalt  }
0x84: {  	_ =	shalt  }
0x85: {  	_ =	shalt  }
0x86: {  	_ =	shalt  }
0x87: {  	_ =	shalt  }
.Lfunc_end0:
.L_simem_size_0:
called_computation_lowered:
.L_overlay_start_0:
0x88: {  	s2 =	sld [smem:$0x3FD9]  }
0x89: {  	s3 =	sld [smem:$0x3FFE];
	_ =	sdelay $0x1  }
0x8a: {  	s1 =	srdreg.scid  }
0x8b: {  	s0 =	sand.u32 $0x1, s1  }
0x8c: {  	s16 =	sshll.u32 s0, $0xA;
	s2 =	sadd.s32 s3, s2  }
0x8d: {  	s2 =	sadd.s32 s2, s16  }
0x8e: {  	[smem:$0x3FBD] =	sst s2  }
0x8f: {  	_ = 	snop  }
0x90: {  	(tm) =	ssettm $0x1  }
0x91: {  	s17 =	sld [smem:$0x3FFB];
	_ =	sdelay $0x3  }
0x92: {  	_ =	strace s17  }
0x93: {  	s2 =	sld [smem:$0x3FFC];
	_ =	sdelay $0x3  }
0x94: {  	_ =	strace s2  }
0x95: {  	s2 =	sld [smem:$0x3FFD];
	_ =	sdelay $0x3  }
0x96: {  	_ =	strace s2  }
0x97: {  	_ =	strace $0x8FFFFFFF  }
0x98: {  	s18 =	sld [smem:$0x3FDB];
	_ =	sdelay $0x1  }
0x99: {  	s19 =	simm.s32 $_scs_section_size  }
0x9a: {  	s4 =	simm.s32 $_size__tile_overlayer_lowered;
	s5 =	simm.s32 $_tile_overlayer_lowered  }
0x9b: {  	s22 =	simm.s32 $0x1BFF;
	s21 =	sshll.u32 s5, $0x1;
	s2 =	sadd.s32 s19, s18  }
0x9c: {  	s6 =	simm.s32 $0x0;
	s20 =	sshll.u32 s4, $0x1;
	s4 =	sadd.s32 s21, s2  }
0x9d: {  	[timem:s6], [sflag:s22] =	dma.local [hbm:s4], s20  }
0x9e: {  	_ =	swait.ge [sflag:s22], s20  }
0x9f: {  	s3 =	ssub.s32 $0x0, s20;
	[sflag:s22] =	ssyncset.done $0x0  }
0xa0: {  	[sflag:s22] =	ssyncadd.s32 s3;
	_ =	sdelay $0x1  }
0xa1: {  	s23 =	simm.s32 $0x1B8B  }
0xa2: {  	_ =	swait.ge [sflag:s23], $0x1  }
0xa3: {  	[sflag:s23] =	ssyncset.done $0x0  }
0xa4: {  	s25 =	simm.s32 $0x1B8E;
	s24 =	sld [smem:$0x3FFE];
	[sflag:s23] =	ssyncadd.s32 $0xFFFFFFFF  }
0xa5: {  	s26 =	simm.s32 $execute0_lowered;
	[smem:$0x3FD2] =	sst s25  }
0xa6: {  	s4 =	sshll.u32 s26, $0x1;
	_ =	strace $0x80000046;
	[dreg:$0x1] =	wrdreg $0xFFFFFFFF  }
0xa7: {  	s28 =	simm.s32 $_size_execute0_lowered;
	s2 =	sadd.s32 s2, s4;
	[dreg:$0x0] =	wrdreg $0x0  }
0xa8: {  	s4 =	sshll.u32 s28, $0x1;
	[dreg:$0x2] =	wrdreg s2  }
0xa9: {  	[dreg:$0x3] =	wrdreg s4  }
0xaa: {  	[dreg:$0x4] =	wrdreg $0xC0  }
0xab: {  	_ =	task [dreg:s6], $0x5FFFF  }
0xac: {  	[dreg:$0x1] =	wrdreg $0xFFFFFFFF  }
0xad: {  	[dreg:$0x0] =	wrdreg $0x60  }
0xae: {  	[dreg:$0x2] =	wrdreg s24  }
0xaf: {  	[dreg:$0x3] =	wrdreg $0x68000  }
0xb0: {  	[dreg:$0x4] =	wrdreg $0x9  }
0xb1: {  	_ =	task.clear_ibuf [dreg:s6], $0x5FFFF;
	_ =	strace $0x90000046  }
0xb2: {  	s29 =	simm.s32 $0x9;
	_ =	strace $0x80000048  }
0xb3: {  	_ =	swait.ge [sflag:s29], $0x1  }
0xb4: {  	[sflag:s29] =	ssyncadd.s32 $0xFFFFFFFF  }
0xb5: {  	_ =	strace $0x90000048  }
0xb6: {  	_ =	sfence  }
0xb7: {  	s30 =	sld [smem:$0x0];
	_ =	sdelay $0x2  }
0xb8: {  	s31 =	sshll.u32 s1, $0xD;
	s1 =	sshrl.u32 s1, $0x2  }
0xb9: {  	s3 =	sand.u32 $0x4000, s31;
	s1 =	sadd.s32 s1, s30  }
0xba: {  	s0 =	sor.u32 s3, s0;
	s1 =	sshll.u32 s1, $0x11  }
0xbb: {  	s0 =	sor.u32 s1, s0  }
0xbc: {  	s0 =	sadd.s32 $0x8F2B, s0  }
0xbd: {  	[sflag:s0] =	ssyncadd.remote.s32 $0x1  }
0xbe: {  	_ =	sfence.sel $0xFFFF  }
0xbf: {  	[dreg:$0x0] =	wrdreg $0xFFFFFFFF;
	(pc) =	sbr.abs _section_cstart, $3  }
0xc0: {  	[dreg:$0x1] =	wrdreg $0xFFFFFFFF  }
0xc1: {  	_ =	task.clear_ibuf [dreg:s6], $0x2FFFF;
	_ =	strace $0x9FFFFFFF  }
0xc2: {  	(tm) =	ssettm $0x7FFFFFFF  }
0xc3: {  	_ =	shalt  }
tec
execute0_lowered:
.L_overlay_start_1:
0x0: {  	(tag) =	ssettag $0x1  }
0x1: {  	s4 =	rddreg [dreg:$0x0]  }
0x2: {  	s0 =	srdreg.scid;
	s2 =	stileid.u32  }
0x3: {  	s1 =	rddreg [dreg:$0x1];
	s3 =	simm.s32 $0x0;
	s8 =	smul.u32 $0x50000, s2  }
0x4: {  	s10 =	simm.s32 $0x2800;
	s11 =	simm.s32 $0x1;
	s13 =	smul.u32 $0x500, s2  }
0x5: {  	s5 =	sand.u32 $0x1, s0;
	s0 =	rddreg [dreg:$0x2];
	s15 =	smul.u32 $0x2800, s2  }
0x6: {  	[smem:$0x7FF] =	sst s3;
	s16 =	sshll.u32 s2, $0x6;
	s6 =	smul.u32 $0x5000, s5  }
0x7: {  	s7 =	smul.u32 $0x28000, s5;
	s5 =	ssub.s32 $0x2, s5;
	_ =	strace $0x80000047  }
0x8: {  	s9 =	sshrl.u32 s5, $0x1;
	s31 =	sshrl.u32 s8, $0x2;
	s6 =	sadd.s32 s6, s4  }
0x9: {  	s7 =	sadd.s32 s7, s4;
	s5 =	ssub.s32 s5, s9;
	s4 =	sadd.s32 s31, s1  }
0xa: {  	s12 =	sadd.s32 $0x4400, s6;
	s14 =	sadd.s32 $0xE400, s7;
	s5 =	smax.u32 s5, $0x1  }
0xb: {  	s6 =	sadd.s32 $0x4000, s4;
	s7 =	sadd.s32 $0x8000, s4;
	s8 =	sadd.s32 $0xC000, s4  }
0xc: {  	s9 =	sadd.s32 $0x10000, s4;
	s12 =	sadd.s32 s13, s12;
	s13 =	simm.s32 $0x80  }
0xd: {  	v0 =	vimm.f32 $0.0e+00;
	v1 =	vimm.f32 $1.000000000e+00;
	s14 =	sadd.s32 s15, s14;
	s15 =	sor.u32 $0x1C01, s16;
	s16 =	sshrl.u32 s4, $0x3  }
.LBB2_1:
0xe: {  	s17 =	simm.s32 $0x0;
	s18 =	simm.s32 $0x200  }
.LBB2_2:
0xf: {  	p0 =	sne.s32 s18, $0xFE00;
	[tilespmem:s17+$0x2870] =	vst v0  }
0x10: {  	[tilespmem:s17+$0x2800] =	vst v0  }
0x11: {  	[tilespmem:s17+$0x2810] =	vst v0  }
.Ltmp0:
0x12: {  	[tilespmem:s17+$0x2820] =	vst v0;
	(pc) =	sbr.rel @p0 .LBB2_2-.Ltmp0, $4  }
0x13: {  	[tilespmem:s17+$0x2830] =	vst v0  }
0x14: {  	[tilespmem:s17+$0x2840] =	vst v0  }
0x15: {  	[tilespmem:s17+$0x2850] =	vst v0  }
0x16: {  	[tilespmem:s17+$0x2860] =	vst v0;
	s17 =	sshra.s32 s18, $0x2;
	s18 =	sadd.s32 $0x200, s18  }
0x17: {  	[tilespmem:s17+$0x2870] =	vst v0  }
0x18: {  	[tilespmem:s17+$0x2800] =	vst v0  }
0x19: {  	[tilespmem:s17+$0x2810] =	vst v0  }
0x1a: {  	[tilespmem:s17+$0x2820] =	vst v0  }
0x1b: {  	[tilespmem:s17+$0x2830] =	vst v0  }
0x1c: {  	[tilespmem:s17+$0x2840] =	vst v0  }
0x1d: {  	[tilespmem:s17+$0x2850] =	vst v0  }
0x1e: {  	[tilespmem:s17+$0x2860] =	vst v0  }
0x1f: {  	[spmem:s4] =	stream.linear.scatter [tilespmem:s10], [sflag:$0x1], $0x4000, $0x38;
	[tilespmem:$0x1A800] =	vst v63  }
0x20: {  	_ =	swait.ge [sflag:s11], $0x4000  }
0x21: {  	[sflag:s11] =	ssyncset.done $0x0  }
0x22: {  	[sflag:s11] =	ssyncadd.s32 $0xFFFFC000  }
0x23: {  	[spmem:s6] =	stream.linear.scatter [tilespmem:s10], [sflag:$0x1], $0x4000, $0x38;
	[tilespmem:$0x1A800] =	vst v63  }
0x24: {  	_ =	swait.ge [sflag:s11], $0x4000  }
0x25: {  	[sflag:s11] =	ssyncset.done $0x0  }
0x26: {  	[sflag:s11] =	ssyncadd.s32 $0xFFFFC000  }
0x27: {  	[spmem:s7] =	stream.linear.scatter [tilespmem:s10], [sflag:$0x1], $0x4000, $0x38;
	[tilespmem:$0x1A800] =	vst v63  }
0x28: {  	_ =	swait.ge [sflag:s11], $0x4000  }
0x29: {  	[sflag:s11] =	ssyncset.done $0x0  }
0x2a: {  	[sflag:s11] =	ssyncadd.s32 $0xFFFFC000  }
0x2b: {  	[spmem:s8] =	stream.linear.scatter [tilespmem:s10], [sflag:$0x1], $0x4000, $0x38;
	[tilespmem:$0x1A800] =	vst v63  }
0x2c: {  	_ =	swait.ge [sflag:s11], $0x4000  }
0x2d: {  	[sflag:s11] =	ssyncset.done $0x0  }
0x2e: {  	[sflag:s11] =	ssyncadd.s32 $0xFFFFC000  }
0x2f: {  	[spmem:s9] =	stream.linear.scatter [tilespmem:s10], [sflag:$0x1], $0x4000, $0x38;
	[tilespmem:$0x1A800] =	vst v63  }
0x30: {  	_ =	swait.ge [sflag:s11], $0x4000  }
0x31: {  	[sflag:s11] =	ssyncset.done $0x0  }
0x32: {  	s17 =	simm.s32 $0x0;
	s18 =	simm.s32 $0x200;
	[sflag:s11] =	ssyncadd.s32 $0xFFFFC000  }
.LBB2_4:
0x33: {  	p0 =	sne.s32 s18, $0xFE00;
	[tilespmem:s17+$0x2870] =	vst v1  }
0x34: {  	[tilespmem:s17+$0x2800] =	vst v1  }
0x35: {  	[tilespmem:s17+$0x2810] =	vst v1  }
.Ltmp1:
0x36: {  	[tilespmem:s17+$0x2820] =	vst v1;
	(pc) =	sbr.rel @p0 .LBB2_4-.Ltmp1, $4  }
0x37: {  	[tilespmem:s17+$0x2830] =	vst v1  }
0x38: {  	[tilespmem:s17+$0x2840] =	vst v1  }
0x39: {  	[tilespmem:s17+$0x2850] =	vst v1  }
0x3a: {  	[tilespmem:s17+$0x2860] =	vst v1;
	s17 =	sshra.s32 s18, $0x2;
	s18 =	sadd.s32 $0x200, s18  }
0x3b: {  	[tilespmem:s17+$0x2870] =	vst v1  }
0x3c: {  	[tilespmem:s17+$0x2800] =	vst v1  }
0x3d: {  	[tilespmem:s17+$0x2810] =	vst v1  }
0x3e: {  	[tilespmem:s17+$0x2820] =	vst v1  }
0x3f: {  	[tilespmem:s17+$0x2830] =	vst v1  }
0x40: {  	[tilespmem:s17+$0x2840] =	vst v1  }
0x41: {  	[tilespmem:s17+$0x2850] =	vst v1  }
0x42: {  	[tilespmem:s17+$0x2860] =	vst v1;
	s30 =	simm.s32 $0x0  }
0x43: {  	[tilespmem:s30], [sflag:$0x1] =	stream.linear.gather [hbm4b:s12+s30], $0x2780, $0x38;
	[tilespmem:$0x1A800] =	vst v63  }
0x44: {  	_ =	swait.ge [sflag:s11], $0x2780  }
0x45: {  	[sflag:s11] =	ssyncset.done $0x0  }
0x46: {  	[sflag:s11] =	ssyncadd.s32 $0xFFFFD880  }
0x47: {  	s31 =	simm.s32 $0x0;
	[bflag:$0x0] =	sbarrier.arrive $0xFFFF  }
0x48: {  	[spmem:s1] =	stream.indirect.scatter.add.f32 [tilespmem:s10], [sflag:$0x1], $0x80, s31, s13, $0xb8;
	[tilespmem:$0x1A800] =	vst v63  }
0x49: {  	_ =	swait.ge [sflag:s11], $0x4000  }
0x4a: {  	s17 =	simm.s32 $0x200;
	[sflag:s11] =	ssyncset.done $0x0  }
.LBB2_6:
0x4b: {  	s18 =	sshra.s32 s17, $0x2;
	[sflag:s11] =	ssyncadd.s32 $0xFFFFC000;
	p0 =	sne.s32 s17, $0x9C00  }
0x4c: {  	[spmem:s1] =	stream.indirect.scatter.add.f32 [tilespmem:s10], [sflag:$0x1], $0x80, s18, s13, $0xb8;
	[tilespmem:$0x1A800] =	vst v63  }
.Ltmp2:
0x4d: {  	_ = 	snop;
	(pc) =	sbr.rel @p0 .LBB2_6-.Ltmp2, $4  }
0x4e: {  	_ = 	snop  }
0x4f: {  	s17 =	sadd.s32 $0x200, s17  }
0x50: {  	_ =	swait.ge [sflag:s11], $0x4000  }
0x51: {  	[sflag:s11] =	ssyncset.done $0x0  }
0x52: {  	s3 =	sadd.s32 $0x1, s3  }
0x53: {  	[sflag:s11] =	ssyncadd.s32 $0xFFFFC000;
	p0 =	sne.s32 s3, s5  }
.Ltmp3:
0x54: {  	[bflag:$0x0] =	sbarrier.arrive $0xFFFF;
	(pc) =	sbr.rel @p0 .LBB2_1-.Ltmp3, $4  }
0x55: {  	[hbm:s14], [sflag:s15] =	dma.local [spmem:s16], $0x2800  }
0x56: {  	_ =	swait.ge [sflag:s11], $0x2800  }
0x57: {  	[sflag:s11] =	ssyncset.done $0x0  }
0x58: {  	[sflag:s11] =	ssyncadd.s32 $0xFFFFD800  }
0x59: {  	_ =	sfence.sel $0x180000  }
0x5a: {  	[bflag:$0x0] =	sbarrier.arrive $0xFFFF  }
0x5b: {  	p0 =	sne.s32 s2, $0x0;
	_ =	strace $0x90000047  }
0x5c: {  	s0 =	sadd.s32 @!p0 $0x100000, s0;
	[bflag:$0x2] =	sbarrier.arrive $0xFFFF  }
0x5d: {  	[sflag:s0] =	ssyncadd.tile.s32 @!p0 $0x1;
	_ =	shalt  }
.Lfunc_end2:
_tile_overlayer_lowered:
.L_overlay_start_2:
0x5e: {  	(tag) =	ssettag $0x2  }
0x5f: {  	s0 =	rddreg [dreg:$0x0];
	s2 =	stileid.u32  }
0x60: {  	s1 =	rddreg [dreg:$0x1];
	p0 =	sne.s32 s2, $0x0  }
0x61: {  	s3 =	rddreg [dreg:$0x2];
	[bflag:$0x3] =	sbarrier.arrive $0xFFFF;
	s2 =	simm.s32 @!p0 $0x1C01  }
0x62: {  	[timem:s3], [sflag:s2] =	dma.local @!p0 [hbm:s0], s1  }
0x63: {  	s0 =	simm.s32 @!p0 $0x1  }
0x64: {  	_ =	swait.ge @!p0 [sflag:s0], s1  }
0x65: {  	s1 =	ssub.s32 @!p0 $0x0, s1;
	[sflag:s0] =	ssyncset.done @!p0 $0x0  }
0x66: {  	[sflag:s0] =	ssyncadd.s32 @!p0 s1  }
0x67: {  	[bflag:$0x3] =	sbarrier.arrive $0xFFFF  }
0x68: {  	_ =	shalt  }

</sc_bundles>
